<compile_context>
chip_gen: v7x
topology: tpu7x:2x2x1
jax: 0.10.2.dev20260603
libtpu: 0.0.44.dev20260713+nightly
codegen_flags: <defaults>
</compile_context>

<pallas_src>
import functools

import numpy as np
import jax
import jax.numpy as jnp
from jax import lax
from jax.experimental import pallas as pl
from jax.experimental.pallas import tpu as pltpu
from jax.experimental.pallas import tpu_sc as plsc

N = 10000
E = 320000
D = 128
H1 = 256
H2 = 128
C = 6

NC, NS = 2, 16
NW = NC * NS
EPW = E // NW
B = 80
NB = EPW // B
NPAD = 10240
RPT = NPAD // NS
RCH = B
NCH = RPT // RCH

_mesh = plsc.VectorSubcoreMesh(core_axis_name="c", subcore_axis_name="s")


@functools.partial(
    pl.kernel,
    mesh=_mesh,
    out_type=jax.ShapeDtypeStruct((NW, N), jnp.float32),
    scratch_types=[
        pltpu.VMEM((EPW,), jnp.int32),
        pltpu.VMEM((N,), jnp.float32),
    ],
    compiler_params=pltpu.CompilerParams(needs_layout_passes=False),
)
def _deg_kernel(dst_hbm, degp_hbm, idx_v, deg_v):
    wid = lax.axis_index("s") * NC + lax.axis_index("c")

    def zero(i, _):
        deg_v[pl.ds(i * 16, 16)] = jnp.zeros((16,), jnp.float32)
        return 0

    lax.fori_loop(0, N // 16, zero, 0)
    pltpu.sync_copy(dst_hbm.at[pl.ds(wid * EPW, EPW)], idx_v)
    ones = jnp.ones((16,), jnp.float32)

    def count(k, _):
        iv = idx_v[pl.ds(k * 16, 16)]
        plsc.addupdate_scatter(deg_v, [iv], ones)
        return 0

    lax.fori_loop(0, EPW // 16, count, 0)
    pltpu.sync_copy(deg_v, degp_hbm.at[wid])


def _scale_body(degp_ref, x_ref, y_ref, dinv_ref):
    deg = jnp.sum(degp_ref[...], axis=1, keepdims=True) + 1.0
    dinv = lax.rsqrt(deg)
    dinv_ref[...] = dinv
    y_ref[...] = x_ref[...] * dinv


@functools.partial(
    pl.kernel,
    mesh=_mesh,
    out_type=jax.ShapeDtypeStruct((NC, NPAD, D), jnp.float32),
    scratch_types=[
        pltpu.VMEM((NB, B), jnp.int32),
        pltpu.VMEM((NB, B), jnp.int32),
        pltpu.VMEM((B, D), jnp.float32),
        pltpu.VMEM_SHARED((NPAD, D), jnp.float32),
        pltpu.SemaphoreType.DMA,
    ],
    compiler_params=pltpu.CompilerParams(needs_layout_passes=False),
)
def _agg_kernel(y_hbm, src3_hbm, dst3_hbm, zp_hbm,
                srcb_v, dstb_v, rows_v, zsh, sem):
    cid = lax.axis_index("c")
    sid = lax.axis_index("s")
    wid = cid * NS + sid
    row0 = sid * RPT

    def zbuf(k, _):
        rows_v[k // (D // 16), pl.ds((k % (D // 16)) * 16, 16)] = (
            jnp.zeros((16,), jnp.float32))
        return 0

    lax.fori_loop(0, RCH * D // 16, zbuf, 0)

    def zshared(i, _):
        pltpu.sync_copy(rows_v, zsh.at[pl.ds(row0 + i * RCH, RCH)])
        return 0

    lax.fori_loop(0, NCH, zshared, 0)
    pltpu.sync_copy(src3_hbm.at[wid], srcb_v)
    pltpu.sync_copy(dst3_hbm.at[wid], dstb_v)
    plsc.subcore_barrier()

    def edge_batch(j, _):
        pltpu.async_copy(y_hbm.at[srcb_v.at[j]], rows_v, sem).wait()
        pltpu.sync_copy(rows_v, zsh.at[dstb_v.at[j]], add=True)
        return 0

    lax.fori_loop(0, NB, edge_batch, 0)
    plsc.subcore_barrier()

    def writeback(i, _):
        sl = pl.ds(row0 + i * RCH, RCH)
        pltpu.sync_copy(zsh.at[sl], rows_v)
        pltpu.sync_copy(rows_v, zp_hbm.at[cid, sl])
        return 0

    lax.fori_loop(0, NCH, writeback, 0)


_BN_SCALE = float(1.0 / np.sqrt(1.0 + 1e-5))


def _mlp_body(zp_ref, y_ref, dinv_ref, W1_ref, b1_ref, g_ref, be_ref,
              W2_ref, b2_ref, W3_ref, b3_ref, out_ref):
    agg = (zp_ref[0] + zp_ref[1] + y_ref[...]) * dinv_ref[...]
    h = jnp.dot(agg, W1_ref[...], preferred_element_type=jnp.float32)
    h = jnp.maximum(h + b1_ref[...], 0.0)
    h = h * (g_ref[...] * _BN_SCALE) + be_ref[...]
    h = jnp.dot(h, W2_ref[...], preferred_element_type=jnp.float32)
    h = jnp.maximum(h + b2_ref[...], 0.0)
    out_ref[...] = (
        jnp.dot(h, W3_ref[...], preferred_element_type=jnp.float32)
        + b3_ref[...])


def kernel(x, edge_index, W1, b1, gamma, beta, W2, b2, W3, b3):
    src = edge_index[0]
    dst = edge_index[1]
    src3 = src.reshape(NW, NB, B)
    dst3 = dst.reshape(NW, NB, B)

    degp = _deg_kernel(dst)
    degp_t = degp.T

    y, dinv = pl.pallas_call(
        _scale_body,
        out_shape=[
            jax.ShapeDtypeStruct((N, D), jnp.float32),
            jax.ShapeDtypeStruct((N, 1), jnp.float32),
        ],
    )(degp_t, x)

    zp = _agg_kernel(y, src3, dst3)

    W3p = jnp.zeros((H2, 128), jnp.float32).at[:, :C].set(W3)
    b3p = jnp.zeros((1, 128), jnp.float32).at[:, :C].set(b3)

    R = 2000
    out = pl.pallas_call(
        _mlp_body,
        grid=(N // R,),
        in_specs=[
            pl.BlockSpec((NC, R, D), lambda i: (0, i, 0)),
            pl.BlockSpec((R, D), lambda i: (i, 0)),
            pl.BlockSpec((R, 1), lambda i: (i, 0)),
            pl.BlockSpec((D, H1), lambda i: (0, 0)),
            pl.BlockSpec((1, H1), lambda i: (0, 0)),
            pl.BlockSpec((1, H1), lambda i: (0, 0)),
            pl.BlockSpec((1, H1), lambda i: (0, 0)),
            pl.BlockSpec((H1, H2), lambda i: (0, 0)),
            pl.BlockSpec((1, H2), lambda i: (0, 0)),
            pl.BlockSpec((H2, 128), lambda i: (0, 0)),
            pl.BlockSpec((1, 128), lambda i: (0, 0)),
        ],
        out_specs=pl.BlockSpec((R, 128), lambda i: (i, 0)),
        out_shape=jax.ShapeDtypeStruct((N, 128), jnp.float32),
    )(zp, y, dinv, W1, b1.reshape(1, H1), gamma.reshape(1, H1),
      beta.reshape(1, H1), W2, b2.reshape(1, H2), W3p, b3p)
    return out[:, :C]

# --- scband reference (transcript-rebuilt; emitter-appended) ---
"""Pipeline reference for scband-gcn-wisdm-1898375545328 (READ-ONLY COPY).

The authoritative reference and input builder live on the scoring server;
editing this copy changes nothing except your own understanding.
"""

import jax, jax.numpy as jnp
import numpy as np

N, E, D, H1, H2, C = 10000, 320000, 128, 256, 128, 6

def setup_inputs(seed: int = 0):
    key = jax.random.key(seed)
    ks = jax.random.split(key, 8)
    x = jax.random.normal(ks[0], (N, D), dtype=jnp.float32)
    edge_index = jax.random.randint(ks[1], (2, E), 0, N, dtype=jnp.int32)
    W1 = jax.random.normal(ks[2], (D, H1), dtype=jnp.float32) * 0.05
    b1 = jnp.zeros((H1,), dtype=jnp.float32)
    gamma = jnp.ones((H1,), dtype=jnp.float32)
    beta = jnp.zeros((H1,), dtype=jnp.float32)
    W2 = jax.random.normal(ks[3], (H1, H2), dtype=jnp.float32) * 0.05
    b2 = jnp.zeros((H2,), dtype=jnp.float32)
    W3 = jax.random.normal(ks[4], (H2, C), dtype=jnp.float32) * 0.05
    b3 = jnp.zeros((C,), dtype=jnp.float32)
    return {"x": x, "edge_index": edge_index, "W1": W1, "b1": b1, "gamma": gamma, "beta": beta, "W2": W2, "b2": b2, "W3": W3, "b3": b3}

def reference(x, edge_index, W1, b1, gamma, beta, W2, b2, W3, b3):
    n = x.shape[0]
    loop = jnp.arange(n, dtype=edge_index.dtype)
    src = jnp.concatenate([edge_index[0], loop])
    dst = jnp.concatenate([edge_index[1], loop])
    # symmetric normalization D^-1/2 (A+I) D^-1/2 (PyG GCNConv default)
    deg = jnp.zeros((n,), dtype=x.dtype).at[dst].add(1.0)
    dinv = jnp.where(deg > 0, 1.0 / jnp.sqrt(deg), 0.0)
    norm = dinv[src] * dinv[dst]
    h = x @ W1
    msg = h[src] * norm[:, None]
    agg = jnp.zeros((n, h.shape[1]), dtype=h.dtype).at[dst].add(msg)
    h = agg + b1
    h = jax.nn.relu(h)
    # dropout: identity (eval mode)
    # BatchNorm1d in eval mode: running_mean=0, running_var=1
    h = (h / jnp.sqrt(1.0 + 1e-5)) * gamma + beta
    h = h @ W2 + b2
    h = jax.nn.relu(h)
    out = h @ W3 + b3
    return out

if __name__ == "__main__":
    import jax
    _d = setup_inputs()
    print(jax.jit(kernel)(*tuple(_d.values())))

</pallas_src>

<mosaic_0001>
#map = affine_map<(d0, d1) -> (0)>
#map1 = affine_map<(d0, d1) -> (0, 0)>
module attributes {stable_mosaic.version = 14 : i64} {
  func.func @_deg_kernel(%arg0: i32, %arg1: i32, %arg2: memref<320000xi32, #tpu.memory_space<hbm>>, %arg3: memref<32x10000xf32, #tpu.memory_space<hbm>>, %arg4: memref<10000xi32, #tpu.memory_space<vmem>>, %arg5: memref<10000xf32, #tpu.memory_space<vmem>>) attributes {dimension_semantics = [#tpu.dimension_semantics<core_parallel>, #tpu.dimension_semantics<subcore_parallel>], iteration_bounds = array<i64: 2, 16>, scalar_prefetch = 0 : i64, scratch_operands = 2 : i64, tpu.core_type = #tpu.core_type<sc_vector_subcore>, window_params = [{transform_indices = #map}, {transform_indices = #map1}]} {
    %mul3A = arith.constant 2 : i32
    %mul3A_0 = arith.muli %arg1, %mul3A : i32
    %add3A = arith.addi %mul3A_0, %arg0 : i32
    %scan3A = arith.constant 0 : i32
    %scan3A_1 = arith.constant 0 : i32
    %scan3A_2 = arith.constant 625 : i32
    %scan3A_3 = arith.addi %scan3A_1, %scan3A_2 : i32
    %scan3A_4 = arith.constant 1 : i32
    %scan3A_5 = scf.for %scan3A_17 = %scan3A_1 to %scan3A_3 step %scan3A_4 iter_args(%scan3A_18 = %scan3A) -> (i32)  : i32 {
      %broadcast_in_dim3A_19 = arith.constant 0.000000e+00 : f32
      %broadcast_in_dim3A_20 = vector.broadcast %broadcast_in_dim3A_19 : f32 to vector<16xf32>
      %mul3A_21 = arith.constant 16 : i32
      %mul3A_22 = arith.muli %scan3A_17, %mul3A_21 : i32
      %swap3A = arith.index_cast %mul3A_22 : i32 to index
      %swap3A_23 = tpu.vector_load %arg5[%swap3A] {strides = array<i32>} : memref<10000xf32, #tpu.memory_space<vmem>>, vector<16xf32>,
      tpu.vector_store %arg5[%swap3A], %broadcast_in_dim3A_20 {strides = array<i32>} : memref<10000xf32, #tpu.memory_space<vmem>>, vector<16xf32>,
      %scan3A_24 = arith.constant 0 : i32
      scf.yield %scan3A_24 : i32
    }
    %scan3A_6 = arith.constant 625 : i32
    %mul3A_7 = arith.constant 10000 : i32
    %mul3A_8 = arith.muli %add3A, %mul3A_7 : i32
    "tpu.region"() ({
      %run_scoped3A = tpu.sem_alloc : memref<!tpu.dma_semaphore, #tpu.memory_space<semaphore_mem>>
      %dma_start3A = tpu.memref_slice %arg2[%mul3A_8] : memref<320000xi32, #tpu.memory_space<hbm>> -> memref<10000xi32, #tpu.memory_space<hbm>>
      %dma_start3A_17 = tpu.memref_slice %arg2[%mul3A_8] : memref<320000xi32, #tpu.memory_space<hbm>> -> memref<10000xi32, #tpu.memory_space<hbm>>
      tpu.enqueue_dma source(%dma_start3A_17 : memref<10000xi32, #tpu.memory_space<hbm>>) target(%arg4 : memref<10000xi32, #tpu.memory_space<vmem>>) target_semaphore(%run_scoped3A : memref<!tpu.dma_semaphore, #tpu.memory_space<semaphore_mem>>)
      %dma_wait3A = tpu.memref_slice %arg2[%mul3A_8] : memref<320000xi32, #tpu.memory_space<hbm>> -> memref<10000xi32, #tpu.memory_space<hbm>>
      %dma_wait3A_18 = tpu.memref_slice %arg2[%mul3A_8] : memref<320000xi32, #tpu.memory_space<hbm>> -> memref<10000xi32, #tpu.memory_space<hbm>>
      tpu.wait_dma2 semaphore(%run_scoped3A : memref<!tpu.dma_semaphore, #tpu.memory_space<semaphore_mem>>) src(%dma_wait3A_18 : memref<10000xi32, #tpu.memory_space<hbm>>) dst(%arg4 : memref<10000xi32, #tpu.memory_space<vmem>>)
      tpu.yield
    }) : () -> ()
    %broadcast_in_dim3A = arith.constant 1.000000e+00 : f32
    %broadcast_in_dim3A_9 = vector.broadcast %broadcast_in_dim3A : f32 to vector<16xf32>
    %scan3A_10 = arith.constant 0 : i32
    %scan3A_11 = arith.constant 0 : i32
    %scan3A_12 = arith.constant 625 : i32
    %scan3A_13 = arith.addi %scan3A_11, %scan3A_12 : i32
    %scan3A_14 = arith.constant 1 : i32
    %scan3A_15 = scf.for %scan3A_17 = %scan3A_11 to %scan3A_13 step %scan3A_14 iter_args(%scan3A_18 = %scan3A_10) -> (i32)  : i32 {
      %mul3A_19 = arith.constant 16 : i32
      %mul3A_20 = arith.muli %scan3A_17, %mul3A_19 : i32
      %get3A = arith.index_cast %mul3A_20 : i32 to index
      %get3A_21 = tpu.vector_load %arg4[%get3A] {strides = array<i32>} : memref<10000xi32, #tpu.memory_space<vmem>>, vector<16xi32>,
      tpu.vector_store_idx %arg5[%get3A_21], %broadcast_in_dim3A_9 {add = true} : memref<10000xf32, #tpu.memory_space<vmem>>[vector<16xi32>], vector<16xf32>,
      %scan3A_22 = arith.constant 0 : i32
      scf.yield %scan3A_22 : i32
    }
    %scan3A_16 = arith.constant 625 : i32
    "tpu.region"() ({
      %run_scoped3A = tpu.sem_alloc : memref<!tpu.dma_semaphore, #tpu.memory_space<semaphore_mem>>
      %dma_start3A = arith.constant 0 : i32
      %dma_start3A_17 = tpu.memref_slice %arg3[%add3A, %dma_start3A] : memref<32x10000xf32, #tpu.memory_space<hbm>> -> memref<1x10000xf32, #tpu.memory_space<hbm>>
      %dma_start3A_18 = tpu.memref_squeeze %dma_start3A_17 : memref<1x10000xf32, #tpu.memory_space<hbm>> -> memref<10000xf32, #tpu.memory_space<hbm>>
      %dma_start3A_19 = arith.constant 0 : i32
      %dma_start3A_20 = tpu.memref_slice %arg3[%add3A, %dma_start3A_19] : memref<32x10000xf32, #tpu.memory_space<hbm>> -> memref<1x10000xf32, #tpu.memory_space<hbm>>
      %dma_start3A_21 = tpu.memref_squeeze %dma_start3A_20 : memref<1x10000xf32, #tpu.memory_space<hbm>> -> memref<10000xf32, #tpu.memory_space<hbm>>
      tpu.enqueue_dma source(%arg5 : memref<10000xf32, #tpu.memory_space<vmem>>) target(%dma_start3A_21 : memref<10000xf32, #tpu.memory_space<hbm>>) target_semaphore(%run_scoped3A : memref<!tpu.dma_semaphore, #tpu.memory_space<semaphore_mem>>)
      %dma_wait3A = arith.constant 0 : i32
      %dma_wait3A_22 = tpu.memref_slice %arg3[%add3A, %dma_wait3A] : memref<32x10000xf32, #tpu.memory_space<hbm>> -> memref<1x10000xf32, #tpu.memory_space<hbm>>
      %dma_wait3A_23 = tpu.memref_squeeze %dma_wait3A_22 : memref<1x10000xf32, #tpu.memory_space<hbm>> -> memref<10000xf32, #tpu.memory_space<hbm>>
      %dma_wait3A_24 = arith.constant 0 : i32
      %dma_wait3A_25 = tpu.memref_slice %arg3[%add3A, %dma_wait3A_24] : memref<32x10000xf32, #tpu.memory_space<hbm>> -> memref<1x10000xf32, #tpu.memory_space<hbm>>
      %dma_wait3A_26 = tpu.memref_squeeze %dma_wait3A_25 : memref<1x10000xf32, #tpu.memory_space<hbm>> -> memref<10000xf32, #tpu.memory_space<hbm>>
      tpu.wait_dma2 semaphore(%run_scoped3A : memref<!tpu.dma_semaphore, #tpu.memory_space<semaphore_mem>>) src(%arg5 : memref<10000xf32, #tpu.memory_space<vmem>>) dst(%dma_wait3A_26 : memref<10000xf32, #tpu.memory_space<hbm>>)
      tpu.yield
    }) : () -> ()
    return
  }
}

#map = affine_map<(d0, d1) -> (0, 0)>
#map1 = affine_map<(d0, d1) -> (0, 0, 0)>
module attributes {stable_mosaic.version = 14 : i64} {
  func.func @_agg_kernel(%arg0: i32, %arg1: i32, %arg2: memref<10000x128xf32, #tpu.memory_space<hbm>>, %arg3: memref<32x125x80xi32, #tpu.memory_space<hbm>>, %arg4: memref<32x125x80xi32, #tpu.memory_space<hbm>>, %arg5: memref<2x10240x128xf32, #tpu.memory_space<hbm>>, %arg6: memref<125x80xi32, #tpu.memory_space<vmem>>, %arg7: memref<125x80xi32, #tpu.memory_space<vmem>>, %arg8: memref<80x128xf32, #tpu.memory_space<vmem>>, %arg9: memref<10240x128xf32, #tpu.memory_space<vmem_shared>>, %arg10: memref<!tpu.dma_semaphore, #tpu.memory_space<semaphore_mem>>) attributes {dimension_semantics = [#tpu.dimension_semantics<core_parallel>, #tpu.dimension_semantics<subcore_parallel>], iteration_bounds = array<i64: 2, 16>, scalar_prefetch = 0 : i64, scratch_operands = 5 : i64, tpu.core_type = #tpu.core_type<sc_vector_subcore>, window_params = [{transform_indices = #map}, {transform_indices = #map1}, {transform_indices = #map1}, {transform_indices = #map1}]} {
    %mul3A = arith.constant 16 : i32
    %mul3A_0 = arith.muli %arg0, %mul3A : i32
    %add3A = arith.addi %mul3A_0, %arg1 : i32
    %mul3A_1 = arith.constant 640 : i32
    %mul3A_2 = arith.muli %arg1, %mul3A_1 : i32
    %scan3A = arith.constant 0 : i32
    %scan3A_3 = arith.constant 0 : i32
    %scan3A_4 = arith.constant 640 : i32
    %scan3A_5 = arith.addi %scan3A_3, %scan3A_4 : i32
    %scan3A_6 = arith.constant 1 : i32
    %scan3A_7 = scf.for %scan3A_31 = %scan3A_3 to %scan3A_5 step %scan3A_6 iter_args(%scan3A_32 = %scan3A) -> (i32)  : i32 {
      %broadcast_in_dim3A = arith.constant 0.000000e+00 : f32
      %broadcast_in_dim3A_33 = vector.broadcast %broadcast_in_dim3A : f32 to vector<16xf32>
      %jit3A = arith.constant 8 : i32
      %div3A = arith.divsi %scan3A_31, %jit3A : i32
      %sign3A = arith.constant 0 : i32
      %sign3A_34 = arith.cmpi sgt, %scan3A_31, %sign3A : i32
      %sign3A_35 = arith.extui %sign3A_34 : i1 to i32
      %sign3A_36 = arith.constant 0 : i32
      %sign3A_37 = arith.cmpi slt, %scan3A_31, %sign3A_36 : i32
      %sign3A_38 = arith.extui %sign3A_37 : i1 to i32
      %sign3A_39 = arith.subi %sign3A_35, %sign3A_38 : i32
      %sign3A_40 = arith.constant 0 : i32
      %sign3A_41 = arith.cmpi sgt, %jit3A, %sign3A_40 : i32
      %sign3A_42 = arith.extui %sign3A_41 : i1 to i32
      %sign3A_43 = arith.constant 0 : i32
      %sign3A_44 = arith.cmpi slt, %jit3A, %sign3A_43 : i32
      %sign3A_45 = arith.extui %sign3A_44 : i1 to i32
      %sign3A_46 = arith.subi %sign3A_42, %sign3A_45 : i32
      %ne3A = arith.cmpi ne, %sign3A_39, %sign3A_46 : i32
      %rem3A = arith.remsi %scan3A_31, %jit3A : i32
      %ne3A_47 = arith.constant 0 : i32
      %ne3A_48 = arith.cmpi ne, %rem3A, %ne3A_47 : i32
      %and3A = arith.andi %ne3A, %ne3A_48 : i1
      %sub3A = arith.constant 1 : i32
      %sub3A_49 = arith.subi %div3A, %sub3A : i32
      %select_n3A = arith.select %and3A, %sub3A_49, %div3A : i32
      %jit3A_50 = arith.constant 8 : i32
      %eq3A = arith.constant 0 : i32
      %eq3A_51 = arith.cmpi eq, %jit3A_50, %eq3A : i32
      %jit3A_52 = arith.constant 1 : i32
      %select_n3A_53 = arith.select %eq3A_51, %jit3A_52, %jit3A_50 : i32
      %rem3A_54 = arith.remsi %scan3A_31, %select_n3A_53 : i32
      %ne3A_55 = arith.constant 0 : i32
      %ne3A_56 = arith.cmpi ne, %rem3A_54, %ne3A_55 : i32
      %lt3A = arith.constant 0 : i32
      %lt3A_57 = arith.cmpi slt, %rem3A_54, %lt3A : i32
      %lt3A_58 = arith.constant 0 : i32
      %lt3A_59 = arith.cmpi slt, %select_n3A_53, %lt3A_58 : i32
      %ne3A_60 = arith.xori %lt3A_57, %lt3A_59 : i1
      %and3A_61 = arith.andi %ne3A_60, %ne3A_56 : i1
      %add3A_62 = arith.addi %rem3A_54, %select_n3A_53 : i32
      %select_n3A_63 = arith.select %and3A_61, %add3A_62, %rem3A_54 : i32
      %mul3A_64 = arith.constant 16 : i32
      %mul3A_65 = arith.muli %select_n3A_63, %mul3A_64 : i32
      %swap3A = arith.index_cast %select_n3A : i32 to index
      %swap3A_66 = arith.index_cast %mul3A_65 : i32 to index
      %swap3A_67 = tpu.vector_load %arg8[%swap3A, %swap3A_66] {strides = array<i32>} : memref<80x128xf32, #tpu.memory_space<vmem>>, vector<16xf32>,
      tpu.vector_store %arg8[%swap3A, %swap3A_66], %broadcast_in_dim3A_33 {strides = array<i32>} : memref<80x128xf32, #tpu.memory_space<vmem>>, vector<16xf32>,
      %scan3A_68 = arith.constant 0 : i32
      scf.yield %scan3A_68 : i32
    }
    %scan3A_8 = arith.constant 640 : i32
    %scan3A_9 = arith.constant 0 : i32
    %scan3A_10 = arith.constant 0 : i32
    %scan3A_11 = arith.constant 8 : i32
    %scan3A_12 = arith.addi %scan3A_10, %scan3A_11 : i32
    %scan3A_13 = arith.constant 1 : i32
    %scan3A_14 = scf.for %scan3A_31 = %scan3A_10 to %scan3A_12 step %scan3A_13 iter_args(%scan3A_32 = %scan3A_9) -> (i32)  : i32 {
      %mul3A_33 = arith.constant 80 : i32
      %mul3A_34 = arith.muli %scan3A_31, %mul3A_33 : i32
      %add3A_35 = arith.addi %mul3A_2, %mul3A_34 : i32
      "tpu.region"() ({
        %run_scoped3A = tpu.sem_alloc : memref<!tpu.dma_semaphore, #tpu.memory_space<semaphore_mem>>
        %dma_start3A = arith.constant 0 : i32
        %dma_start3A_37 = tpu.memref_slice %arg9[%add3A_35, %dma_start3A] : memref<10240x128xf32, #tpu.memory_space<vmem_shared>> -> memref<80x128xf32, #tpu.memory_space<vmem_shared>>
        %dma_start3A_38 = arith.constant 0 : i32
        %dma_start3A_39 = tpu.memref_slice %arg9[%add3A_35, %dma_start3A_38] : memref<10240x128xf32, #tpu.memory_space<vmem_shared>> -> memref<80x128xf32, #tpu.memory_space<vmem_shared>>
        tpu.enqueue_dma source(%arg8 : memref<80x128xf32, #tpu.memory_space<vmem>>) target(%dma_start3A_39 : memref<80x128xf32, #tpu.memory_space<vmem_shared>>) target_semaphore(%run_scoped3A : memref<!tpu.dma_semaphore, #tpu.memory_space<semaphore_mem>>)
        %dma_wait3A = arith.constant 0 : i32
        %dma_wait3A_40 = tpu.memref_slice %arg9[%add3A_35, %dma_wait3A] : memref<10240x128xf32, #tpu.memory_space<vmem_shared>> -> memref<80x128xf32, #tpu.memory_space<vmem_shared>>
        %dma_wait3A_41 = arith.constant 0 : i32
        %dma_wait3A_42 = tpu.memref_slice %arg9[%add3A_35, %dma_wait3A_41] : memref<10240x128xf32, #tpu.memory_space<vmem_shared>> -> memref<80x128xf32, #tpu.memory_space<vmem_shared>>
        tpu.wait_dma2 semaphore(%run_scoped3A : memref<!tpu.dma_semaphore, #tpu.memory_space<semaphore_mem>>) src(%arg8 : memref<80x128xf32, #tpu.memory_space<vmem>>) dst(%dma_wait3A_42 : memref<80x128xf32, #tpu.memory_space<vmem_shared>>)
        tpu.yield
      }) : () -> ()
      %scan3A_36 = arith.constant 0 : i32
      scf.yield %scan3A_36 : i32
    }
    %scan3A_15 = arith.constant 8 : i32
    "tpu.region"() ({
      %run_scoped3A = tpu.sem_alloc : memref<!tpu.dma_semaphore, #tpu.memory_space<semaphore_mem>>
      %dma_start3A = arith.constant 0 : i32
      %dma_start3A_31 = arith.constant 0 : i32
      %dma_start3A_32 = tpu.memref_slice %arg3[%add3A, %dma_start3A, %dma_start3A_31] : memref<32x125x80xi32, #tpu.memory_space<hbm>> -> memref<1x125x80xi32, #tpu.memory_space<hbm>>
      %dma_start3A_33 = tpu.memref_squeeze %dma_start3A_32 : memref<1x125x80xi32, #tpu.memory_space<hbm>> -> memref<125x80xi32, #tpu.memory_space<hbm>>
      %dma_start3A_34 = arith.constant 0 : i32
      %dma_start3A_35 = arith.constant 0 : i32
      %dma_start3A_36 = tpu.memref_slice %arg3[%add3A, %dma_start3A_34, %dma_start3A_35] : memref<32x125x80xi32, #tpu.memory_space<hbm>> -> memref<1x125x80xi32, #tpu.memory_space<hbm>>
      %dma_start3A_37 = tpu.memref_squeeze %dma_start3A_36 : memref<1x125x80xi32, #tpu.memory_space<hbm>> -> memref<125x80xi32, #tpu.memory_space<hbm>>
      tpu.enqueue_dma source(%dma_start3A_37 : memref<125x80xi32, #tpu.memory_space<hbm>>) target(%arg6 : memref<125x80xi32, #tpu.memory_space<vmem>>) target_semaphore(%run_scoped3A : memref<!tpu.dma_semaphore, #tpu.memory_space<semaphore_mem>>)
      %dma_wait3A = arith.constant 0 : i32
      %dma_wait3A_38 = arith.constant 0 : i32
      %dma_wait3A_39 = tpu.memref_slice %arg3[%add3A, %dma_wait3A, %dma_wait3A_38] : memref<32x125x80xi32, #tpu.memory_space<hbm>> -> memref<1x125x80xi32, #tpu.memory_space<hbm>>
      %dma_wait3A_40 = tpu.memref_squeeze %dma_wait3A_39 : memref<1x125x80xi32, #tpu.memory_space<hbm>> -> memref<125x80xi32, #tpu.memory_space<hbm>>
      %dma_wait3A_41 = arith.constant 0 : i32
      %dma_wait3A_42 = arith.constant 0 : i32
      %dma_wait3A_43 = tpu.memref_slice %arg3[%add3A, %dma_wait3A_41, %dma_wait3A_42] : memref<32x125x80xi32, #tpu.memory_space<hbm>> -> memref<1x125x80xi32, #tpu.memory_space<hbm>>
      %dma_wait3A_44 = tpu.memref_squeeze %dma_wait3A_43 : memref<1x125x80xi32, #tpu.memory_space<hbm>> -> memref<125x80xi32, #tpu.memory_space<hbm>>
      tpu.wait_dma2 semaphore(%run_scoped3A : memref<!tpu.dma_semaphore, #tpu.memory_space<semaphore_mem>>) src(%dma_wait3A_44 : memref<125x80xi32, #tpu.memory_space<hbm>>) dst(%arg6 : memref<125x80xi32, #tpu.memory_space<vmem>>)
      tpu.yield
    }) : () -> ()
    "tpu.region"() ({
      %run_scoped3A = tpu.sem_alloc : memref<!tpu.dma_semaphore, #tpu.memory_space<semaphore_mem>>
      %dma_start3A = arith.constant 0 : i32
      %dma_start3A_31 = arith.constant 0 : i32
      %dma_start3A_32 = tpu.memref_slice %arg4[%add3A, %dma_start3A, %dma_start3A_31] : memref<32x125x80xi32, #tpu.memory_space<hbm>> -> memref<1x125x80xi32, #tpu.memory_space<hbm>>
      %dma_start3A_33 = tpu.memref_squeeze %dma_start3A_32 : memref<1x125x80xi32, #tpu.memory_space<hbm>> -> memref<125x80xi32, #tpu.memory_space<hbm>>
      %dma_start3A_34 = arith.constant 0 : i32
      %dma_start3A_35 = arith.constant 0 : i32
      %dma_start3A_36 = tpu.memref_slice %arg4[%add3A, %dma_start3A_34, %dma_start3A_35] : memref<32x125x80xi32, #tpu.memory_space<hbm>> -> memref<1x125x80xi32, #tpu.memory_space<hbm>>
      %dma_start3A_37 = tpu.memref_squeeze %dma_start3A_36 : memref<1x125x80xi32, #tpu.memory_space<hbm>> -> memref<125x80xi32, #tpu.memory_space<hbm>>
      tpu.enqueue_dma source(%dma_start3A_37 : memref<125x80xi32, #tpu.memory_space<hbm>>) target(%arg7 : memref<125x80xi32, #tpu.memory_space<vmem>>) target_semaphore(%run_scoped3A : memref<!tpu.dma_semaphore, #tpu.memory_space<semaphore_mem>>)
      %dma_wait3A = arith.constant 0 : i32
      %dma_wait3A_38 = arith.constant 0 : i32
      %dma_wait3A_39 = tpu.memref_slice %arg4[%add3A, %dma_wait3A, %dma_wait3A_38] : memref<32x125x80xi32, #tpu.memory_space<hbm>> -> memref<1x125x80xi32, #tpu.memory_space<hbm>>
      %dma_wait3A_40 = tpu.memref_squeeze %dma_wait3A_39 : memref<1x125x80xi32, #tpu.memory_space<hbm>> -> memref<125x80xi32, #tpu.memory_space<hbm>>
      %dma_wait3A_41 = arith.constant 0 : i32
      %dma_wait3A_42 = arith.constant 0 : i32
      %dma_wait3A_43 = tpu.memref_slice %arg4[%add3A, %dma_wait3A_41, %dma_wait3A_42] : memref<32x125x80xi32, #tpu.memory_space<hbm>> -> memref<1x125x80xi32, #tpu.memory_space<hbm>>
      %dma_wait3A_44 = tpu.memref_squeeze %dma_wait3A_43 : memref<1x125x80xi32, #tpu.memory_space<hbm>> -> memref<125x80xi32, #tpu.memory_space<hbm>>
      tpu.wait_dma2 semaphore(%run_scoped3A : memref<!tpu.dma_semaphore, #tpu.memory_space<semaphore_mem>>) src(%dma_wait3A_44 : memref<125x80xi32, #tpu.memory_space<hbm>>) dst(%arg7 : memref<125x80xi32, #tpu.memory_space<vmem>>)
      tpu.yield
    }) : () -> ()
    %barrier3A = arith.constant 0 : index
    tpu.barrier barrier_id(%barrier3A)
    %scan3A_16 = arith.constant 0 : i32
    %scan3A_17 = arith.constant 0 : i32
    %scan3A_18 = arith.constant 125 : i32
    %scan3A_19 = arith.addi %scan3A_17, %scan3A_18 : i32
    %scan3A_20 = arith.constant 1 : i32
    %scan3A_21 = scf.for %scan3A_31 = %scan3A_17 to %scan3A_19 step %scan3A_20 iter_args(%scan3A_32 = %scan3A_16) -> (i32)  : i32 {
      %dma_start3A = arith.constant 0 : i32
      %dma_start3A_33 = tpu.memref_slice %arg6[%scan3A_31, %dma_start3A] : memref<125x80xi32, #tpu.memory_space<vmem>> -> memref<1x80xi32, #tpu.memory_space<vmem>>
      %dma_start3A_34 = tpu.memref_squeeze %dma_start3A_33 : memref<1x80xi32, #tpu.memory_space<vmem>> -> memref<80xi32, #tpu.memory_space<vmem>>
      %dma_start3A_35 = arith.constant 0 : i32
      %dma_start3A_36 = arith.constant 0 : i32
      %dma_start3A_37 = tpu.memref_slice %arg2[%dma_start3A_35, %dma_start3A_36] : memref<10000x128xf32, #tpu.memory_space<hbm>> -> memref<10000x128xf32, #tpu.memory_space<hbm>>
      tpu.enqueue_indirect_dma source(%dma_start3A_37 : memref<10000x128xf32, #tpu.memory_space<hbm>>) target(%arg8 : memref<80x128xf32, #tpu.memory_space<vmem>>) offsets(%dma_start3A_34 : memref<80xi32, #tpu.memory_space<vmem>>) semaphore(%arg10 : memref<!tpu.dma_semaphore, #tpu.memory_space<semaphore_mem>>)
      %dma_wait3A = arith.constant 0 : i32
      %dma_wait3A_38 = tpu.memref_slice %arg6[%scan3A_31, %dma_wait3A] : memref<125x80xi32, #tpu.memory_space<vmem>> -> memref<1x80xi32, #tpu.memory_space<vmem>>
      %dma_wait3A_39 = tpu.memref_squeeze %dma_wait3A_38 : memref<1x80xi32, #tpu.memory_space<vmem>> -> memref<80xi32, #tpu.memory_space<vmem>>
      %dma_wait3A_40 = arith.constant 0 : i32
      %dma_wait3A_41 = arith.constant 0 : i32
      %dma_wait3A_42 = tpu.memref_slice %arg2[%dma_wait3A_40, %dma_wait3A_41] : memref<10000x128xf32, #tpu.memory_space<hbm>> -> memref<10000x128xf32, #tpu.memory_space<hbm>>
      tpu.wait_indirect_dma semaphore(%arg10 : memref<!tpu.dma_semaphore, #tpu.memory_space<semaphore_mem>>) src(%dma_wait3A_42 : memref<10000x128xf32, #tpu.memory_space<hbm>>) dst(%arg8 : memref<80x128xf32, #tpu.memory_space<vmem>>)
      "tpu.region"() ({
        %run_scoped3A = tpu.sem_alloc : memref<!tpu.dma_semaphore, #tpu.memory_space<semaphore_mem>>
        %dma_start3A_44 = arith.constant 0 : i32
        %dma_start3A_45 = tpu.memref_slice %arg7[%scan3A_31, %dma_start3A_44] : memref<125x80xi32, #tpu.memory_space<vmem>> -> memref<1x80xi32, #tpu.memory_space<vmem>>
        %dma_start3A_46 = tpu.memref_squeeze %dma_start3A_45 : memref<1x80xi32, #tpu.memory_space<vmem>> -> memref<80xi32, #tpu.memory_space<vmem>>
        %dma_start3A_47 = arith.constant 0 : i32
        %dma_start3A_48 = arith.constant 0 : i32
        %dma_start3A_49 = tpu.memref_slice %arg9[%dma_start3A_47, %dma_start3A_48] : memref<10240x128xf32, #tpu.memory_space<vmem_shared>> -> memref<10240x128xf32, #tpu.memory_space<vmem_shared>>
        tpu.enqueue_indirect_dma source(%arg8 : memref<80x128xf32, #tpu.memory_space<vmem>>) target(%dma_start3A_49 : memref<10240x128xf32, #tpu.memory_space<vmem_shared>>) offsets(%dma_start3A_46 : memref<80xi32, #tpu.memory_space<vmem>>) semaphore(%run_scoped3A : memref<!tpu.dma_semaphore, #tpu.memory_space<semaphore_mem>>) {add = true}
        %dma_wait3A_50 = arith.constant 0 : i32
        %dma_wait3A_51 = tpu.memref_slice %arg7[%scan3A_31, %dma_wait3A_50] : memref<125x80xi32, #tpu.memory_space<vmem>> -> memref<1x80xi32, #tpu.memory_space<vmem>>
        %dma_wait3A_52 = tpu.memref_squeeze %dma_wait3A_51 : memref<1x80xi32, #tpu.memory_space<vmem>> -> memref<80xi32, #tpu.memory_space<vmem>>
        %dma_wait3A_53 = arith.constant 0 : i32
        %dma_wait3A_54 = arith.constant 0 : i32
        %dma_wait3A_55 = tpu.memref_slice %arg9[%dma_wait3A_53, %dma_wait3A_54] : memref<10240x128xf32, #tpu.memory_space<vmem_shared>> -> memref<10240x128xf32, #tpu.memory_space<vmem_shared>>
        tpu.wait_indirect_dma semaphore(%run_scoped3A : memref<!tpu.dma_semaphore, #tpu.memory_space<semaphore_mem>>) src(%arg8 : memref<80x128xf32, #tpu.memory_space<vmem>>) dst(%dma_wait3A_55 : memref<10240x128xf32, #tpu.memory_space<vmem_shared>>)
        tpu.yield
      }) : () -> ()
      %scan3A_43 = arith.constant 0 : i32
      scf.yield %scan3A_43 : i32
    }
    %scan3A_22 = arith.constant 125 : i32
    %barrier3A_23 = arith.constant 0 : index
    tpu.barrier barrier_id(%barrier3A_23)
    %scan3A_24 = arith.constant 0 : i32
    %scan3A_25 = arith.constant 0 : i32
    %scan3A_26 = arith.constant 8 : i32
    %scan3A_27 = arith.addi %scan3A_25, %scan3A_26 : i32
    %scan3A_28 = arith.constant 1 : i32
    %scan3A_29 = scf.for %scan3A_31 = %scan3A_25 to %scan3A_27 step %scan3A_28 iter_args(%scan3A_32 = %scan3A_24) -> (i32)  : i32 {
      %mul3A_33 = arith.constant 80 : i32
      %mul3A_34 = arith.muli %scan3A_31, %mul3A_33 : i32
      %add3A_35 = arith.addi %mul3A_2, %mul3A_34 : i32
      "tpu.region"() ({
        %run_scoped3A = tpu.sem_alloc : memref<!tpu.dma_semaphore, #tpu.memory_space<semaphore_mem>>
        %dma_start3A = arith.constant 0 : i32
        %dma_start3A_37 = tpu.memref_slice %arg9[%add3A_35, %dma_start3A] : memref<10240x128xf32, #tpu.memory_space<vmem_shared>> -> memref<80x128xf32, #tpu.memory_space<vmem_shared>>
        %dma_start3A_38 = arith.constant 0 : i32
        %dma_start3A_39 = tpu.memref_slice %arg9[%add3A_35, %dma_start3A_38] : memref<10240x128xf32, #tpu.memory_space<vmem_shared>> -> memref<80x128xf32, #tpu.memory_space<vmem_shared>>
        tpu.enqueue_dma source(%dma_start3A_39 : memref<80x128xf32, #tpu.memory_space<vmem_shared>>) target(%arg8 : memref<80x128xf32, #tpu.memory_space<vmem>>) target_semaphore(%run_scoped3A : memref<!tpu.dma_semaphore, #tpu.memory_space<semaphore_mem>>)
        %dma_wait3A = arith.constant 0 : i32
        %dma_wait3A_40 = tpu.memref_slice %arg9[%add3A_35, %dma_wait3A] : memref<10240x128xf32, #tpu.memory_space<vmem_shared>> -> memref<80x128xf32, #tpu.memory_space<vmem_shared>>
        %dma_wait3A_41 = arith.constant 0 : i32
        %dma_wait3A_42 = tpu.memref_slice %arg9[%add3A_35, %dma_wait3A_41] : memref<10240x128xf32, #tpu.memory_space<vmem_shared>> -> memref<80x128xf32, #tpu.memory_space<vmem_shared>>
        tpu.wait_dma2 semaphore(%run_scoped3A : memref<!tpu.dma_semaphore, #tpu.memory_space<semaphore_mem>>) src(%dma_wait3A_42 : memref<80x128xf32, #tpu.memory_space<vmem_shared>>) dst(%arg8 : memref<80x128xf32, #tpu.memory_space<vmem>>)
        tpu.yield
      }) : () -> ()
      "tpu.region"() ({
        %run_scoped3A = tpu.sem_alloc : memref<!tpu.dma_semaphore, #tpu.memory_space<semaphore_mem>>
        %dma_start3A = arith.constant 0 : i32
        %dma_start3A_37 = tpu.memref_slice %arg5[%arg0, %add3A_35, %dma_start3A] : memref<2x10240x128xf32, #tpu.memory_space<hbm>> -> memref<1x80x128xf32, #tpu.memory_space<hbm>>
        %dma_start3A_38 = tpu.memref_squeeze %dma_start3A_37 : memref<1x80x128xf32, #tpu.memory_space<hbm>> -> memref<80x128xf32, #tpu.memory_space<hbm>>
        %dma_start3A_39 = arith.constant 0 : i32
        %dma_start3A_40 = tpu.memref_slice %arg5[%arg0, %add3A_35, %dma_start3A_39] : memref<2x10240x128xf32, #tpu.memory_space<hbm>> -> memref<1x80x128xf32, #tpu.memory_space<hbm>>
        %dma_start3A_41 = tpu.memref_squeeze %dma_start3A_40 : memref<1x80x128xf32, #tpu.memory_space<hbm>> -> memref<80x128xf32, #tpu.memory_space<hbm>>
        tpu.enqueue_dma source(%arg8 : memref<80x128xf32, #tpu.memory_space<vmem>>) target(%dma_start3A_41 : memref<80x128xf32, #tpu.memory_space<hbm>>) target_semaphore(%run_scoped3A : memref<!tpu.dma_semaphore, #tpu.memory_space<semaphore_mem>>)
        %dma_wait3A = arith.constant 0 : i32
        %dma_wait3A_42 = tpu.memref_slice %arg5[%arg0, %add3A_35, %dma_wait3A] : memref<2x10240x128xf32, #tpu.memory_space<hbm>> -> memref<1x80x128xf32, #tpu.memory_space<hbm>>
        %dma_wait3A_43 = tpu.memref_squeeze %dma_wait3A_42 : memref<1x80x128xf32, #tpu.memory_space<hbm>> -> memref<80x128xf32, #tpu.memory_space<hbm>>
        %dma_wait3A_44 = arith.constant 0 : i32
        %dma_wait3A_45 = tpu.memref_slice %arg5[%arg0, %add3A_35, %dma_wait3A_44] : memref<2x10240x128xf32, #tpu.memory_space<hbm>> -> memref<1x80x128xf32, #tpu.memory_space<hbm>>
        %dma_wait3A_46 = tpu.memref_squeeze %dma_wait3A_45 : memref<1x80x128xf32, #tpu.memory_space<hbm>> -> memref<80x128xf32, #tpu.memory_space<hbm>>
        tpu.wait_dma2 semaphore(%run_scoped3A : memref<!tpu.dma_semaphore, #tpu.memory_space<semaphore_mem>>) src(%arg8 : memref<80x128xf32, #tpu.memory_space<vmem>>) dst(%dma_wait3A_46 : memref<80x128xf32, #tpu.memory_space<hbm>>)
        tpu.yield
      }) : () -> ()
      %scan3A_36 = arith.constant 0 : i32
      scf.yield %scan3A_36 : i32
    }
    %scan3A_30 = arith.constant 8 : i32
    return
  }
}

module attributes {stable_mosaic.version = 14 : i64} {
  func.func @_scale_body(%arg0: memref<10000x32xf32, #tpu.memory_space<vmem>>, %arg1: memref<10000x128xf32, #tpu.memory_space<vmem>>, %arg2: memref<10000x128xf32, #tpu.memory_space<vmem>>, %arg3: memref<10000x1xf32, #tpu.memory_space<vmem>>) attributes {dimension_semantics = [], scalar_prefetch = 0 : i64, scratch_operands = 0 : i64, tpu.core_type = #tpu.core_type<tc>} {
    %get3A = arith.constant 0 : index
    %get3A_0 = arith.constant 0 : index
    %get3A_1 = vector.load %arg0[%get3A, %get3A_0] : memref<10000x32xf32, #tpu.memory_space<vmem>>, vector<10000x32xf32>
    %reduce_sum3A = arith.constant dense<0.000000e+00> : vector<10000xf32>
    %reduce_sum3A_2 = vector.multi_reduction <add>, %get3A_1, %reduce_sum3A [1] : vector<10000x32xf32> to vector<10000xf32>
    %broadcast_in_dim3A = vector.shape_cast %reduce_sum3A_2 : vector<10000xf32> to vector<10000x1xf32>
    %add3A = arith.constant 1.000000e+00 : f32
    %add3A_3 = vector.broadcast %add3A : f32 to vector<10000x1xf32>
    %add3A_4 = arith.addf %broadcast_in_dim3A, %add3A_3 : vector<10000x1xf32>
    %rsqrt3A = math.rsqrt %add3A_4 : vector<10000x1xf32>
    %swap3A = arith.constant 0 : index
    %swap3A_5 = arith.constant 0 : index
    %swap3A_6 = vector.load %arg3[%swap3A, %swap3A_5] : memref<10000x1xf32, #tpu.memory_space<vmem>>, vector<10000x1xf32>
    tpu.vector_store %arg3[%swap3A, %swap3A_5], %rsqrt3A {strides = array<i32>} : memref<10000x1xf32, #tpu.memory_space<vmem>>, vector<10000x1xf32>,
    %get3A_7 = arith.constant 0 : index
    %get3A_8 = arith.constant 0 : index
    %get3A_9 = vector.load %arg1[%get3A_7, %get3A_8] : memref<10000x128xf32, #tpu.memory_space<vmem>>, vector<10000x128xf32>
    %mul3A = vector.broadcast %rsqrt3A : vector<10000x1xf32> to vector<10000x128xf32>
    %mul3A_10 = arith.mulf %get3A_9, %mul3A : vector<10000x128xf32>
    %swap3A_11 = arith.constant 0 : index
    %swap3A_12 = arith.constant 0 : index
    %swap3A_13 = vector.load %arg2[%swap3A_11, %swap3A_12] : memref<10000x128xf32, #tpu.memory_space<vmem>>, vector<10000x128xf32>
    tpu.vector_store %arg2[%swap3A_11, %swap3A_12], %mul3A_10 {strides = array<i32>} : memref<10000x128xf32, #tpu.memory_space<vmem>>, vector<10000x128xf32>,
    return
  }
}

module attributes {stable_mosaic.version = 14 : i64} {
  func.func @_mlp_body(%arg0: i32, %arg1: memref<2x2000x128xf32, #tpu.memory_space<vmem>>, %arg2: memref<2000x128xf32, #tpu.memory_space<vmem>>, %arg3: memref<2000x1xf32, #tpu.memory_space<vmem>>, %arg4: memref<128x256xf32, #tpu.memory_space<vmem>>, %arg5: memref<1x256xf32, #tpu.memory_space<vmem>>, %arg6: memref<1x256xf32, #tpu.memory_space<vmem>>, %arg7: memref<1x256xf32, #tpu.memory_space<vmem>>, %arg8: memref<256x128xf32, #tpu.memory_space<vmem>>, %arg9: memref<1x128xf32, #tpu.memory_space<vmem>>, %arg10: memref<128x128xf32, #tpu.memory_space<vmem>>, %arg11: memref<1x128xf32, #tpu.memory_space<vmem>>, %arg12: memref<2000x128xf32, #tpu.memory_space<vmem>>) attributes {dimension_semantics = [#tpu.dimension_semantics<arbitrary>], iteration_bounds = array<i64: 5>, scalar_prefetch = 0 : i64, scratch_operands = 0 : i64, tpu.core_type = #tpu.core_type<tc>, window_params = [{transform_indices = @transform_0, window_bounds = array<i64: 2, 2000, 128>}, {transform_indices = @transform_1, window_bounds = array<i64: 2000, 128>}, {transform_indices = @transform_2, window_bounds = array<i64: 2000, 1>}, {pipeline_mode = #tpu.pipeline_mode<synchronous>, transform_indices = @transform_3, window_bounds = array<i64: 128, 256>}, {pipeline_mode = #tpu.pipeline_mode<synchronous>, transform_indices = @transform_4, window_bounds = array<i64: 1, 256>}, {pipeline_mode = #tpu.pipeline_mode<synchronous>, transform_indices = @transform_5, window_bounds = array<i64: 1, 256>}, {pipeline_mode = #tpu.pipeline_mode<synchronous>, transform_indices = @transform_6, window_bounds = array<i64: 1, 256>}, {pipeline_mode = #tpu.pipeline_mode<synchronous>, transform_indices = @transform_7, window_bounds = array<i64: 256, 128>}, {pipeline_mode = #tpu.pipeline_mode<synchronous>, transform_indices = @transform_8, window_bounds = array<i64: 1, 128>}, {pipeline_mode = #tpu.pipeline_mode<synchronous>, transform_indices = @transform_9, window_bounds = array<i64: 128, 128>}, {pipeline_mode = #tpu.pipeline_mode<synchronous>, transform_indices = @transform_10, window_bounds = array<i64: 1, 128>}, {transform_indices = @transform_11, window_bounds = array<i64: 2000, 128>}]} {
    %get3A = arith.constant 0 : index
    %get3A_0 = arith.constant 0 : index
    %get3A_1 = arith.constant 0 : index
    %get3A_2 = vector.load %arg1[%get3A, %get3A_0, %get3A_1] : memref<2x2000x128xf32, #tpu.memory_space<vmem>>, vector<1x2000x128xf32>
    %get3A_3 = vector.shape_cast %get3A_2 : vector<1x2000x128xf32> to vector<2000x128xf32>
    %get3A_4 = arith.constant 1 : index
    %get3A_5 = arith.constant 0 : index
    %get3A_6 = arith.constant 0 : index
    %get3A_7 = vector.load %arg1[%get3A_4, %get3A_5, %get3A_6] : memref<2x2000x128xf32, #tpu.memory_space<vmem>>, vector<1x2000x128xf32>
    %get3A_8 = vector.shape_cast %get3A_7 : vector<1x2000x128xf32> to vector<2000x128xf32>
    %add3A = arith.addf %get3A_3, %get3A_8 : vector<2000x128xf32>
    %get3A_9 = arith.constant 0 : index
    %get3A_10 = arith.constant 0 : index
    %get3A_11 = vector.load %arg2[%get3A_9, %get3A_10] : memref<2000x128xf32, #tpu.memory_space<vmem>>, vector<2000x128xf32>
    %add3A_12 = arith.addf %add3A, %get3A_11 : vector<2000x128xf32>
    %get3A_13 = arith.constant 0 : index
    %get3A_14 = arith.constant 0 : index
    %get3A_15 = vector.load %arg3[%get3A_13, %get3A_14] : memref<2000x1xf32, #tpu.memory_space<vmem>>, vector<2000x1xf32>
    %mul3A = vector.broadcast %get3A_15 : vector<2000x1xf32> to vector<2000x128xf32>
    %mul3A_16 = arith.mulf %add3A_12, %mul3A : vector<2000x128xf32>
    %get3A_17 = arith.constant 0 : index
    %get3A_18 = arith.constant 0 : index
    %get3A_19 = vector.load %arg4[%get3A_17, %get3A_18] : memref<128x256xf32, #tpu.memory_space<vmem>>, vector<128x256xf32>
    %dot_general3A = arith.constant dense<0.000000e+00> : vector<2000x256xf32>
    %dot_general3A_20 = tpu.matmul %mul3A_16, %get3A_19, %dot_general3A {dimension_numbers = #tpu.dot_dimension_numbers<[1], [0], [0], [1], [0, 0, 1, 1], [], []>, transpose_lhs_hint = false} : vector<2000x128xf32>, vector<128x256xf32>, vector<2000x256xf32> -> vector<2000x256xf32>
    %get3A_21 = arith.constant 0 : index
    %get3A_22 = arith.constant 0 : index
    %get3A_23 = vector.load %arg5[%get3A_21, %get3A_22] : memref<1x256xf32, #tpu.memory_space<vmem>>, vector<1x256xf32>
    %add3A_24 = vector.broadcast %get3A_23 : vector<1x256xf32> to vector<2000x256xf32>
    %add3A_25 = arith.addf %dot_general3A_20, %add3A_24 : vector<2000x256xf32>
    %max3A = arith.constant 0.000000e+00 : f32
    %max3A_26 = vector.broadcast %max3A : f32 to vector<2000x256xf32>
    %max3A_27 = arith.maximumf %add3A_25, %max3A_26 : vector<2000x256xf32>
    %get3A_28 = arith.constant 0 : index
    %get3A_29 = arith.constant 0 : index
    %get3A_30 = vector.load %arg6[%get3A_28, %get3A_29] : memref<1x256xf32, #tpu.memory_space<vmem>>, vector<1x256xf32>
    %mul3A_31 = arith.constant 0.999994993 : f32
    %mul3A_32 = vector.broadcast %mul3A_31 : f32 to vector<1x256xf32>
    %mul3A_33 = arith.mulf %get3A_30, %mul3A_32 : vector<1x256xf32>
    %mul3A_34 = vector.broadcast %mul3A_33 : vector<1x256xf32> to vector<2000x256xf32>
    %mul3A_35 = arith.mulf %max3A_27, %mul3A_34 : vector<2000x256xf32>
    %get3A_36 = arith.constant 0 : index
    %get3A_37 = arith.constant 0 : index
    %get3A_38 = vector.load %arg7[%get3A_36, %get3A_37] : memref<1x256xf32, #tpu.memory_space<vmem>>, vector<1x256xf32>
    %add3A_39 = vector.broadcast %get3A_38 : vector<1x256xf32> to vector<2000x256xf32>
    %add3A_40 = arith.addf %mul3A_35, %add3A_39 : vector<2000x256xf32>
    %get3A_41 = arith.constant 0 : index
    %get3A_42 = arith.constant 0 : index
    %get3A_43 = vector.load %arg8[%get3A_41, %get3A_42] : memref<256x128xf32, #tpu.memory_space<vmem>>, vector<256x128xf32>
    %dot_general3A_44 = arith.constant dense<0.000000e+00> : vector<2000x128xf32>
    %dot_general3A_45 = tpu.matmul %add3A_40, %get3A_43, %dot_general3A_44 {dimension_numbers = #tpu.dot_dimension_numbers<[1], [0], [0], [1], [0, 0, 1, 1], [], []>, transpose_lhs_hint = false} : vector<2000x256xf32>, vector<256x128xf32>, vector<2000x128xf32> -> vector<2000x128xf32>
    %get3A_46 = arith.constant 0 : index
    %get3A_47 = arith.constant 0 : index
    %get3A_48 = vector.load %arg9[%get3A_46, %get3A_47] : memref<1x128xf32, #tpu.memory_space<vmem>>, vector<1x128xf32>
    %add3A_49 = vector.broadcast %get3A_48 : vector<1x128xf32> to vector<2000x128xf32>
    %add3A_50 = arith.addf %dot_general3A_45, %add3A_49 : vector<2000x128xf32>
    %max3A_51 = arith.constant 0.000000e+00 : f32
    %max3A_52 = vector.broadcast %max3A_51 : f32 to vector<2000x128xf32>
    %max3A_53 = arith.maximumf %add3A_50, %max3A_52 : vector<2000x128xf32>
    %get3A_54 = arith.constant 0 : index
    %get3A_55 = arith.constant 0 : index
    %get3A_56 = vector.load %arg10[%get3A_54, %get3A_55] : memref<128x128xf32, #tpu.memory_space<vmem>>, vector<128x128xf32>
    %dot_general3A_57 = arith.constant dense<0.000000e+00> : vector<2000x128xf32>
    %dot_general3A_58 = tpu.matmul %max3A_53, %get3A_56, %dot_general3A_57 {dimension_numbers = #tpu.dot_dimension_numbers<[1], [0], [0], [1], [0, 0, 1, 1], [], []>, transpose_lhs_hint = false} : vector<2000x128xf32>, vector<128x128xf32>, vector<2000x128xf32> -> vector<2000x128xf32>
    %get3A_59 = arith.constant 0 : index
    %get3A_60 = arith.constant 0 : index
    %get3A_61 = vector.load %arg11[%get3A_59, %get3A_60] : memref<1x128xf32, #tpu.memory_space<vmem>>, vector<1x128xf32>
    %add3A_62 = vector.broadcast %get3A_61 : vector<1x128xf32> to vector<2000x128xf32>
    %add3A_63 = arith.addf %dot_general3A_58, %add3A_62 : vector<2000x128xf32>
    %swap3A = arith.constant 0 : index
    %swap3A_64 = arith.constant 0 : index
    %swap3A_65 = vector.load %arg12[%swap3A, %swap3A_64] : memref<2000x128xf32, #tpu.memory_space<vmem>>, vector<2000x128xf32>
    tpu.vector_store %arg12[%swap3A, %swap3A_64], %add3A_63 {strides = array<i32>} : memref<2000x128xf32, #tpu.memory_space<vmem>>, vector<2000x128xf32>,
    return
  }
  func.func @transform_0(%arg0: i32) -> (i32, i32, i32) {
    %c0_i32 = arith.constant 0 : i32
    %c0_i32_0 = arith.constant 0 : i32
    %c0_i32_1 = arith.constant 0 : i32
    return %c0_i32, %arg0, %c0_i32_0 : i32, i32, i32
  }
  func.func @transform_1(%arg0: i32) -> (i32, i32) {
    %c0_i32 = arith.constant 0 : i32
    %c0_i32_0 = arith.constant 0 : i32
    return %arg0, %c0_i32 : i32, i32
  }
  func.func @transform_2(%arg0: i32) -> (i32, i32) {
    %c0_i32 = arith.constant 0 : i32
    %c0_i32_0 = arith.constant 0 : i32
    return %arg0, %c0_i32 : i32, i32
  }
  func.func @transform_3(%arg0: i32) -> (i32, i32) {
    %c0_i32 = arith.constant 0 : i32
    %c0_i32_0 = arith.constant 0 : i32
    %c0_i32_1 = arith.constant 0 : i32
    return %c0_i32, %c0_i32_0 : i32, i32
  }
  func.func @transform_4(%arg0: i32) -> (i32, i32) {
    %c0_i32 = arith.constant 0 : i32
    %c0_i32_0 = arith.constant 0 : i32
    %c0_i32_1 = arith.constant 0 : i32
    return %c0_i32, %c0_i32_0 : i32, i32
  }
  func.func @transform_5(%arg0: i32) -> (i32, i32) {
    %c0_i32 = arith.constant 0 : i32
    %c0_i32_0 = arith.constant 0 : i32
    %c0_i32_1 = arith.constant 0 : i32
    return %c0_i32, %c0_i32_0 : i32, i32
  }
  func.func @transform_6(%arg0: i32) -> (i32, i32) {
    %c0_i32 = arith.constant 0 : i32
    %c0_i32_0 = arith.constant 0 : i32
    %c0_i32_1 = arith.constant 0 : i32
    return %c0_i32, %c0_i32_0 : i32, i32
  }
  func.func @transform_7(%arg0: i32) -> (i32, i32) {
    %c0_i32 = arith.constant 0 : i32
    %c0_i32_0 = arith.constant 0 : i32
    %c0_i32_1 = arith.constant 0 : i32
    return %c0_i32, %c0_i32_0 : i32, i32
  }
  func.func @transform_8(%arg0: i32) -> (i32, i32) {
    %c0_i32 = arith.constant 0 : i32
    %c0_i32_0 = arith.constant 0 : i32
    %c0_i32_1 = arith.constant 0 : i32
    return %c0_i32, %c0_i32_0 : i32, i32
  }
  func.func @transform_9(%arg0: i32) -> (i32, i32) {
    %c0_i32 = arith.constant 0 : i32
    %c0_i32_0 = arith.constant 0 : i32
    %c0_i32_1 = arith.constant 0 : i32
    return %c0_i32, %c0_i32_0 : i32, i32
  }
  func.func @transform_10(%arg0: i32) -> (i32, i32) {
    %c0_i32 = arith.constant 0 : i32
    %c0_i32_0 = arith.constant 0 : i32
    %c0_i32_1 = arith.constant 0 : i32
    return %c0_i32, %c0_i32_0 : i32, i32
  }
  func.func @transform_11(%arg0: i32) -> (i32, i32) {
    %c0_i32 = arith.constant 0 : i32
    %c0_i32_0 = arith.constant 0 : i32
    return %arg0, %c0_i32 : i32, i32
  }
}

</mosaic_0001>

<sc_bundles>
// kernel: kernel.6.cloned.1.call-start
scs
__scs_entry_jumppad:
0x0: {  	(pc) =	sbr.rel $0x88, $3  }
0x1: {  	(tag) =	ssettag $0x0;
	lr =	simm.s32 $0x1  }
0x2: {  	[smem:$0x3F97] =	sst lr;
	_ =	strace $0xD0000000  }
0x3: {  	_ = 	snop  }
0x4: {  	_ = 	snop  }
0x5: {  	_ = 	snop  }
0x6: {  	_ = 	snop  }
0x7: {  	_ = 	snop  }
__scs_overlays_trampoline_lowered:
0x8: {  	[smem:$0x3FA6] =	sst s0  }
0x9: {  	[smem:$0x3FA7] =	sst s1  }
0xa: {  	[smem:$0x3FA8] =	sst s2  }
0xb: {  	[smem:$0x3FA9] =	sst s3  }
0xc: {  	[smem:$0x3FAA] =	sst s4  }
0xd: {  	[smem:$0x3FAB] =	sst s5  }
0xe: {  	[smem:$0x3FAC] =	sst s6  }
0xf: {  	[smem:$0x3FAD] =	sst s7  }
0x10: {  	[smem:$0x3FAE] =	sst s8  }
0x11: {  	[smem:$0x3FAF] =	sst s9;
	s0 =	simm.s32 @!p0 $0x0  }
0x12: {  	s1 =	sld [smem:$0x3F95];
	s0 =	simm.s32 @p0 $0x1  }
0x13: {  	[smem:$0x3FB0] =	sst s0;
	s0 =	simm.s32 @!p1 $0x0  }
0x14: {  	s2 =	sld [smem:$0x3F94];
	s0 =	simm.s32 @p1 $0x1  }
0x15: {  	[smem:$0x3FB1] =	sst s0;
	s0 =	simm.s32 @!p2 $0x0  }
0x16: {  	s3 =	sld [smem:$0x3FDB];
	s0 =	simm.s32 @p2 $0x1  }
0x17: {  	s4 =	simm.s32 $0x1BF5;
	[smem:$0x3FB3] =	sst s0  }
0x18: {  	s0 =	sld [smem:$0x3F96];
	_ =	swait.ge [sflag:s4], $0x0  }
0x19: {  	s7 =	sld [smem:$0x3F97]  }
0x1a: {  	s8 =	sadd.s32 $0xFFFFE003, lr  }
0x1b: {  	s9 =	sadd.s32 $0xFFFFFEF7, lr;
	s5 =	simm.s32 $0xFFFFFFFF;
	p2 =	slt.u32 s8, $0xFFFFF086  }
0x1c: {  	p1 =	slt.u32 s9, $0xF7A;
	s5 =	simm.s32 @!p2 $0x0  }
0x1d: {  	s5 =	simm.s32 @p1 $0x1;
	p0 =	seq.s32 s7, s2  }
0x1e: {  	s7 =	smul.u32 @!p0 $0xF7A, s2;
	p2 =	seq.s32 @!p0 s5, $0x0  }
0x1f: {  	s9 =	smul.u32 $0xF7A, s1;
	s8 =	simm.s32 @!p0 $0x1BF5;
	p2 =	por !p2, p0  }
0x20: {  	[sflag:s8] =	ssyncset.s32 @!p0 $0xFFFFF086;
	s6 =	sadd.s32 @!p0 s3, s7;
	s7 =	simm.s32 @!p0 $0x108  }
0x21: {  	s3 =	sadd.s32 s3, s9;
	s6 =	sadd.s32 @!p0 $0x88, s6;
	s7 =	simm.s32 @p2 $0x1082  }
0x22: {  	[simem:s7], [sflag:s8] =	dma.local @!p0 [hbm:s6], $0xF7A  }
0x23: {  	s9 =	sor.u32 $0xD0000000, s2;
	s6 =	simm.s32 $0x108;
	_ =	swait.ge @!p0 [sflag:s8], $0x0  }
0x24: {  	s3 =	sadd.s32 $0x88, s3;
	s6 =	simm.s32 @!p1 $0x1082;
	[sflag:s4] =	ssyncset.s32 $0xFFFFF086  }
0x25: {  	[simem:s6], [sflag:s4] =	dma.local [hbm:s3], $0xF7A  }
0x26: {  	[smem:$0x3F97] =	sst s1;
	(tag) =	ssettag s2;
	_ =	strace s9  }
0x27: {  	s1 =	sld [smem:$0x3FA7]  }
0x28: {  	s2 =	sld [smem:$0x3FA8]  }
0x29: {  	s4 =	sld [smem:$0x3FAA]  }
0x2a: {  	p0 =	seq.s32 s5, $0x0;
	s5 =	sld [smem:$0x3FAB]  }
0x2b: {  	s6 =	sld [smem:$0x3FAC]  }
0x2c: {  	s7 =	sld [smem:$0x3FAD]  }
0x2d: {  	s3 =	simm.s32 $0x108;
	s8 =	sld [smem:$0x3FAE]  }
0x2e: {  	s3 =	simm.s32 @!p0 $0x1082;
	s9 =	sld [smem:$0x3FAF]  }
0x2f: {  	lr =	sadd.s32 s0, s3;
	s0 =	sld [smem:$0x3FA6]  }
0x30: {  	s3 =	sld [smem:$0x3FA9]  }
0x31: {  	[smem:$0x3FB2] =	sst s10  }
0x32: {  	s10 =	sld [smem:$0x3FB0];
	_ =	sdelay $0x3  }
0x33: {  	p0 =	seq.s32 s10, $0x1;
	s10 =	sld [smem:$0x3FB2];
	_ =	sdelay $0x3  }
0x34: {  	[smem:$0x3FB2] =	sst s10  }
0x35: {  	s10 =	sld [smem:$0x3FB1];
	_ =	sdelay $0x3  }
0x36: {  	p1 =	seq.s32 s10, $0x1;
	s10 =	sld [smem:$0x3FB2];
	_ =	sdelay $0x3  }
0x37: {  	[smem:$0x3FB2] =	sst s10  }
0x38: {  	s10 =	sld [smem:$0x3FB3]  }
0x39: {  	_ = 	snop;
	(pc) =	sbr.ind lr, $3  }
0x3a: {  	_ = 	snop  }
0x3b: {  	_ = 	snop  }
0x3c: {  	p2 =	seq.s32 s10, $0x1;
	s10 =	sld [smem:$0x3FB2]  }
0x3d: {  	_ =	shalt  }
0x3e: {  	_ =	shalt  }
0x3f: {  	_ =	shalt  }
0x40: {  	_ =	shalt  }
0x41: {  	_ =	shalt  }
0x42: {  	_ =	shalt  }
0x43: {  	_ =	shalt  }
0x44: {  	_ =	shalt  }
0x45: {  	_ =	shalt  }
0x46: {  	_ =	shalt  }
0x47: {  	_ =	shalt  }
0x48: {  	_ =	shalt  }
0x49: {  	_ =	shalt  }
0x4a: {  	_ =	shalt  }
0x4b: {  	_ =	shalt  }
0x4c: {  	_ =	shalt  }
0x4d: {  	_ =	shalt  }
0x4e: {  	_ =	shalt  }
0x4f: {  	_ =	shalt  }
0x50: {  	_ =	shalt  }
0x51: {  	_ =	shalt  }
0x52: {  	_ =	shalt  }
0x53: {  	_ =	shalt  }
0x54: {  	_ =	shalt  }
0x55: {  	_ =	shalt  }
0x56: {  	_ =	shalt  }
0x57: {  	_ =	shalt  }
0x58: {  	_ =	shalt  }
0x59: {  	_ =	shalt  }
0x5a: {  	_ =	shalt  }
0x5b: {  	_ =	shalt  }
0x5c: {  	_ =	shalt  }
0x5d: {  	_ =	shalt  }
0x5e: {  	_ =	shalt  }
0x5f: {  	_ =	shalt  }
0x60: {  	_ =	shalt  }
0x61: {  	_ =	shalt  }
0x62: {  	_ =	shalt  }
0x63: {  	_ =	shalt  }
0x64: {  	_ =	shalt  }
0x65: {  	_ =	shalt  }
0x66: {  	_ =	shalt  }
0x67: {  	_ =	shalt  }
0x68: {  	_ =	shalt  }
0x69: {  	_ =	shalt  }
0x6a: {  	_ =	shalt  }
0x6b: {  	_ =	shalt  }
0x6c: {  	_ =	shalt  }
0x6d: {  	_ =	shalt  }
0x6e: {  	_ =	shalt  }
0x6f: {  	_ =	shalt  }
0x70: {  	_ =	shalt  }
0x71: {  	_ =	shalt  }
0x72: {  	_ =	shalt  }
0x73: {  	_ =	shalt  }
0x74: {  	_ =	shalt  }
0x75: {  	_ =	shalt  }
0x76: {  	_ =	shalt  }
0x77: {  	_ =	shalt  }
0x78: {  	_ =	shalt  }
0x79: {  	_ =	shalt  }
0x7a: {  	_ =	shalt  }
0x7b: {  	_ =	shalt  }
0x7c: {  	_ =	shalt  }
0x7d: {  	_ =	shalt  }
0x7e: {  	_ =	shalt  }
0x7f: {  	_ =	shalt  }
0x80: {  	_ =	shalt  }
0x81: {  	_ =	shalt  }
0x82: {  	_ =	shalt  }
0x83: {  	_ =	shalt  }
0x84: {  	_ =	shalt  }
0x85: {  	_ =	shalt  }
0x86: {  	_ =	shalt  }
0x87: {  	_ =	shalt  }
.Lfunc_end0:
.L_simem_size_0:
called_computation_lowered:
.L_overlay_start_0:
0x88: {  	s2 =	sld [smem:$0x3FD9]  }
0x89: {  	s3 =	sld [smem:$0x3FFE];
	_ =	sdelay $0x1  }
0x8a: {  	s1 =	srdreg.scid  }
0x8b: {  	s0 =	sand.u32 $0x1, s1  }
0x8c: {  	s16 =	sshll.u32 s0, $0xA;
	s2 =	sadd.s32 s3, s2  }
0x8d: {  	s2 =	sadd.s32 s2, s16  }
0x8e: {  	[smem:$0x3FBE] =	sst s2  }
0x8f: {  	_ = 	snop  }
0x90: {  	(tm) =	ssettm $0x1  }
0x91: {  	s17 =	sld [smem:$0x3FFB];
	_ =	sdelay $0x3  }
0x92: {  	_ =	strace s17  }
0x93: {  	s2 =	sld [smem:$0x3FFC];
	_ =	sdelay $0x3  }
0x94: {  	_ =	strace s2  }
0x95: {  	s2 =	sld [smem:$0x3FFD];
	_ =	sdelay $0x3  }
0x96: {  	_ =	strace s2  }
0x97: {  	_ =	strace $0x8FFFFFFF  }
0x98: {  	s18 =	sld [smem:$0x3FDB];
	_ =	sdelay $0x1  }
0x99: {  	s19 =	simm.s32 $_scs_section_size  }
0x9a: {  	s4 =	simm.s32 $_size__tile_overlayer_lowered;
	s5 =	simm.s32 $_tile_overlayer_lowered  }
0x9b: {  	s22 =	simm.s32 $0x1BFF;
	s21 =	sshll.u32 s5, $0x1;
	s2 =	sadd.s32 s19, s18  }
0x9c: {  	s6 =	simm.s32 $0x0;
	s20 =	sshll.u32 s4, $0x1;
	s4 =	sadd.s32 s21, s2  }
0x9d: {  	[timem:s6], [sflag:s22] =	dma.local [hbm:s4], s20  }
0x9e: {  	_ =	swait.ge [sflag:s22], s20  }
0x9f: {  	s3 =	ssub.s32 $0x0, s20;
	[sflag:s22] =	ssyncset.done $0x0  }
0xa0: {  	[sflag:s22] =	ssyncadd.s32 s3;
	_ =	sdelay $0x1  }
0xa1: {  	s23 =	simm.s32 $0x1B8B  }
0xa2: {  	_ =	swait.ge [sflag:s23], $0x1  }
0xa3: {  	[sflag:s23] =	ssyncset.done $0x0  }
0xa4: {  	s25 =	simm.s32 $0x1B8E;
	s24 =	sld [smem:$0x3FFE];
	[sflag:s23] =	ssyncadd.s32 $0xFFFFFFFF  }
0xa5: {  	s26 =	simm.s32 $execute0_lowered;
	[smem:$0x3FD2] =	sst s25  }
0xa6: {  	s4 =	sshll.u32 s26, $0x1;
	_ =	strace $0x80000046;
	[dreg:$0x1] =	wrdreg $0xFFFFFFFF  }
0xa7: {  	s28 =	simm.s32 $_size_execute0_lowered;
	s2 =	sadd.s32 s2, s4;
	[dreg:$0x0] =	wrdreg $0x0  }
0xa8: {  	s4 =	sshll.u32 s28, $0x1;
	[dreg:$0x2] =	wrdreg s2  }
0xa9: {  	[dreg:$0x3] =	wrdreg s4  }
0xaa: {  	[dreg:$0x4] =	wrdreg $0xC0  }
0xab: {  	_ =	task [dreg:s6], $0x5FFFF  }
0xac: {  	[dreg:$0x1] =	wrdreg $0xFFFFFFFF  }
0xad: {  	[dreg:$0x0] =	wrdreg $0x60  }
0xae: {  	[dreg:$0x2] =	wrdreg s24  }
0xaf: {  	[dreg:$0x3] =	wrdreg $0x9  }
0xb0: {  	_ =	task.clear_ibuf [dreg:s6], $0x4FFFF;
	_ =	strace $0x90000046  }
0xb1: {  	s29 =	simm.s32 $0x9;
	_ =	strace $0x80000048  }
0xb2: {  	_ =	swait.ge [sflag:s29], $0x1  }
0xb3: {  	[sflag:s29] =	ssyncadd.s32 $0xFFFFFFFF  }
0xb4: {  	_ =	strace $0x90000048  }
0xb5: {  	_ =	sfence  }
0xb6: {  	s30 =	sld [smem:$0x0];
	_ =	sdelay $0x2  }
0xb7: {  	s31 =	sshll.u32 s1, $0xD;
	s1 =	sshrl.u32 s1, $0x2  }
0xb8: {  	s3 =	sand.u32 $0x4000, s31;
	s1 =	sadd.s32 s1, s30  }
0xb9: {  	s0 =	sor.u32 s3, s0;
	s1 =	sshll.u32 s1, $0x11  }
0xba: {  	s0 =	sor.u32 s1, s0  }
0xbb: {  	s0 =	sadd.s32 $0x8F2B, s0  }
0xbc: {  	[sflag:s0] =	ssyncadd.remote.s32 $0x1  }
0xbd: {  	_ =	sfence.sel $0xFFFF  }
0xbe: {  	[dreg:$0x0] =	wrdreg $0xFFFFFFFF;
	(pc) =	sbr.abs _section_cstart, $3  }
0xbf: {  	[dreg:$0x1] =	wrdreg $0xFFFFFFFF  }
0xc0: {  	_ =	task.clear_ibuf [dreg:s6], $0x2FFFF;
	_ =	strace $0x9FFFFFFF  }
0xc1: {  	(tm) =	ssettm $0x7FFFFFFF  }
tec
execute0_lowered:
.L_overlay_start_1:
0x0: {  	(tag) =	ssettag $0x1  }
0x1: {  	s1 =	srdreg.scid;
	s0 =	stileid.u32  }
0x2: {  	s3 =	rddreg [dreg:$0x0];
	s8 =	simm.s32 $0x80;
	s9 =	simm.s32 $0x400  }
0x3: {  	s4 =	sand.u32 $0x1, s1;
	s2 =	sshll.u32 s0, $0x1;
	s1 =	rddreg [dreg:$0x1]  }
0x4: {  	s6 =	sshrl.u32 s0, $0x2;
	s5 =	sor.u32 s4, s2;
	s2 =	simm.s32 $0x0  }
0x5: {  	s6 =	smul.u32 $0x13C00, s6;
	s4 =	ssub.s32 $0x2, s4;
	s7 =	sshll.u32 s5, $0x7  }
0x6: {  	[smem:$0x7FF] =	sst s2;
	s5 =	smul.u32 $0x4E2, s5;
	s7 =	sand.u32 $0x380, s7  }
0x7: {  	s31 =	sshrl.u32 s4, $0x1;
	_ =	strace $0x80000047;
	s6 =	sor.u32 s6, s7  }
0x8: {  	s5 =	sadd.s32 s5, s3;
	s7 =	ssub.s32 s4, s31;
	s6 =	sshrl.u32 s6, $0x3  }
0x9: {  	s6 =	sadd.s32 s6, s3;
	s3 =	sadd.s32 $0x2000, s5;
	s5 =	smax.u32 s7, $0x1  }
0xa: {  	v0 =	vimm.f32 $0.0e+00;
	v1 =	vimm.f32 $1.000000000e+00;
	s7 =	simm.s32 $0x2780;
	s4 =	sadd.s32 $0xBE00, s6;
	s6 =	simm.s32 $0x1  }
.LBB2_1:
0xb: {  	s10 =	simm.s32 $0x40;
	s11 =	simm.s32 $0x0  }
.LBB2_2:
0xc: {  	p0 =	sne.s32 s10, $0x9C00;
	[tilespmem:s11+$0x2780] =	vst v0;
	s11 =	smov.u32 s10;
	s10 =	sadd.s32 $0x40, s10  }
.Ltmp0:
0xd: {  	(pc) =	sbr.rel @p0 .LBB2_2-.Ltmp0, $2  }
0xe: {  	_ =	sdelay $0x2  }
0xf: {  	s11 =	sshra.s32 s11, $0x2  }
0x10: {  	[tilespmem:s11+$0x2780] =	vst v0;
	s10 =	simm.s32 $0x0  }
0x11: {  	[tilespmem:s10], [sflag:$0x1] =	stream.linear.gather [hbm4b:s3+s10], $0x2710, $0x38;
	[tilespmem:$0x4F00] =	vst v63  }
0x12: {  	_ =	swait.ge [sflag:s6], $0x2710  }
0x13: {  	[sflag:s6] =	ssyncset.done $0x0  }
0x14: {  	s11 =	simm.s32 $0x0;
	s10 =	simm.s32 $0x40;
	[sflag:s6] =	ssyncadd.s32 $0xFFFFD8F0  }
.LBB2_4:
0x15: {  	p0 =	sne.s32 s10, $0x9C00;
	v2 =	vld [tilespmem:s11+$0x0];
	_ =	sdelay $0x3  }
.Ltmp1:
0x16: {  	(pc) =	sbr.rel @p0 .LBB2_4-.Ltmp1, $2  }
0x17: {  	_ =	sdelay $0x2  }
0x18: {  	s11 =	sshra.s32 s10, $0x2;
	s10 =	sadd.s32 $0x40, s10;
	[tilespmem:v2+s7+$0x0] =	vst.idx.add.f32.msk $0xffff, v1  }
0x19: {  	v2 =	vld [tilespmem:s11+$0x0];
	_ =	sdelay $0x5  }
0x1a: {  	s2 =	sadd.s32 $0x1, s2  }
0x1b: {  	p0 =	sne.s32 s2, s5  }
.Ltmp2:
0x1c: {  	[tilespmem:v2+s7+$0x0] =	vst.idx.add.f32.msk $0xffff, v1;
	(pc) =	sbr.rel @p0 .LBB2_1-.Ltmp2, $4  }
0x1d: {  	[hbm4b:s4+s8] =	stream.strided.scatter [tilespmem:s7], [sflag:$0x1], $0x2780, s9, s8, $0x38;
	[tilespmem:$0x4F00] =	vst v63  }
0x1e: {  	_ =	swait.ge [sflag:s6], $0x2780  }
0x1f: {  	[sflag:s6] =	ssyncset.done $0x0  }
0x20: {  	[sflag:s6] =	ssyncadd.s32 $0xFFFFD880  }
0x21: {  	_ =	sfence.sel $0x180000  }
0x22: {  	[bflag:$0x0] =	sbarrier.arrive $0xFFFF  }
0x23: {  	p0 =	sne.s32 s0, $0x0;
	_ =	strace $0x90000047  }
0x24: {  	s0 =	sadd.s32 @!p0 $0x100000, s1;
	[bflag:$0x2] =	sbarrier.arrive $0xFFFF  }
0x25: {  	[sflag:s0] =	ssyncadd.tile.s32 @!p0 $0x1;
	_ =	shalt  }
.Lfunc_end2:
_tile_overlayer_lowered:
.L_overlay_start_2:
0x26: {  	(tag) =	ssettag $0x2  }
0x27: {  	s0 =	rddreg [dreg:$0x0];
	s2 =	stileid.u32  }
0x28: {  	s1 =	rddreg [dreg:$0x1];
	p0 =	sne.s32 s2, $0x0  }
0x29: {  	s3 =	rddreg [dreg:$0x2];
	[bflag:$0x3] =	sbarrier.arrive $0xFFFF;
	s2 =	simm.s32 @!p0 $0x1C01  }
0x2a: {  	[timem:s3], [sflag:s2] =	dma.local @!p0 [hbm:s0], s1  }
0x2b: {  	s0 =	simm.s32 @!p0 $0x1  }
0x2c: {  	_ =	swait.ge @!p0 [sflag:s0], s1  }
0x2d: {  	s1 =	ssub.s32 @!p0 $0x0, s1;
	[sflag:s0] =	ssyncset.done @!p0 $0x0  }
0x2e: {  	[sflag:s0] =	ssyncadd.s32 @!p0 s1  }
0x2f: {  	[bflag:$0x3] =	sbarrier.arrive $0xFFFF  }
0x30: {  	_ =	shalt  }

// kernel: kernel.9.cloned.1.call-start
scs
__scs_entry_jumppad:
0x0: {  	(pc) =	sbr.rel $0x88, $3  }
0x1: {  	(tag) =	ssettag $0x0;
	lr =	simm.s32 $0x1  }
0x2: {  	[smem:$0x3F97] =	sst lr;
	_ =	strace $0xD0000000  }
0x3: {  	_ = 	snop  }
0x4: {  	_ = 	snop  }
0x5: {  	_ = 	snop  }
0x6: {  	_ = 	snop  }
0x7: {  	_ = 	snop  }
__scs_overlays_trampoline_lowered:
0x8: {  	[smem:$0x3FA6] =	sst s0  }
0x9: {  	[smem:$0x3FA7] =	sst s1  }
0xa: {  	[smem:$0x3FA8] =	sst s2  }
0xb: {  	[smem:$0x3FA9] =	sst s3  }
0xc: {  	[smem:$0x3FAA] =	sst s4  }
0xd: {  	[smem:$0x3FAB] =	sst s5  }
0xe: {  	[smem:$0x3FAC] =	sst s6  }
0xf: {  	[smem:$0x3FAD] =	sst s7  }
0x10: {  	[smem:$0x3FAE] =	sst s8  }
0x11: {  	[smem:$0x3FAF] =	sst s9;
	s0 =	simm.s32 @!p0 $0x0  }
0x12: {  	s1 =	sld [smem:$0x3F95];
	s0 =	simm.s32 @p0 $0x1  }
0x13: {  	[smem:$0x3FB0] =	sst s0;
	s0 =	simm.s32 @!p1 $0x0  }
0x14: {  	s2 =	sld [smem:$0x3F94];
	s0 =	simm.s32 @p1 $0x1  }
0x15: {  	[smem:$0x3FB1] =	sst s0;
	s0 =	simm.s32 @!p2 $0x0  }
0x16: {  	s3 =	sld [smem:$0x3FDB];
	s0 =	simm.s32 @p2 $0x1  }
0x17: {  	s4 =	simm.s32 $0x1BF5;
	[smem:$0x3FB3] =	sst s0  }
0x18: {  	s0 =	sld [smem:$0x3F96];
	_ =	swait.ge [sflag:s4], $0x0  }
0x19: {  	s7 =	sld [smem:$0x3F97]  }
0x1a: {  	s8 =	sadd.s32 $0xFFFFE003, lr  }
0x1b: {  	s9 =	sadd.s32 $0xFFFFFEF7, lr;
	s5 =	simm.s32 $0xFFFFFFFF;
	p2 =	slt.u32 s8, $0xFFFFF086  }
0x1c: {  	p1 =	slt.u32 s9, $0xF7A;
	s5 =	simm.s32 @!p2 $0x0  }
0x1d: {  	s5 =	simm.s32 @p1 $0x1;
	p0 =	seq.s32 s7, s2  }
0x1e: {  	s7 =	smul.u32 @!p0 $0xF7A, s2;
	p2 =	seq.s32 @!p0 s5, $0x0  }
0x1f: {  	s9 =	smul.u32 $0xF7A, s1;
	s8 =	simm.s32 @!p0 $0x1BF5;
	p2 =	por !p2, p0  }
0x20: {  	[sflag:s8] =	ssyncset.s32 @!p0 $0xFFFFF086;
	s6 =	sadd.s32 @!p0 s3, s7;
	s7 =	simm.s32 @!p0 $0x108  }
0x21: {  	s3 =	sadd.s32 s3, s9;
	s6 =	sadd.s32 @!p0 $0x88, s6;
	s7 =	simm.s32 @p2 $0x1082  }
0x22: {  	[simem:s7], [sflag:s8] =	dma.local @!p0 [hbm:s6], $0xF7A  }
0x23: {  	s9 =	sor.u32 $0xD0000000, s2;
	s6 =	simm.s32 $0x108;
	_ =	swait.ge @!p0 [sflag:s8], $0x0  }
0x24: {  	s3 =	sadd.s32 $0x88, s3;
	s6 =	simm.s32 @!p1 $0x1082;
	[sflag:s4] =	ssyncset.s32 $0xFFFFF086  }
0x25: {  	[simem:s6], [sflag:s4] =	dma.local [hbm:s3], $0xF7A  }
0x26: {  	[smem:$0x3F97] =	sst s1;
	(tag) =	ssettag s2;
	_ =	strace s9  }
0x27: {  	s1 =	sld [smem:$0x3FA7]  }
0x28: {  	s2 =	sld [smem:$0x3FA8]  }
0x29: {  	s4 =	sld [smem:$0x3FAA]  }
0x2a: {  	p0 =	seq.s32 s5, $0x0;
	s5 =	sld [smem:$0x3FAB]  }
0x2b: {  	s6 =	sld [smem:$0x3FAC]  }
0x2c: {  	s7 =	sld [smem:$0x3FAD]  }
0x2d: {  	s3 =	simm.s32 $0x108;
	s8 =	sld [smem:$0x3FAE]  }
0x2e: {  	s3 =	simm.s32 @!p0 $0x1082;
	s9 =	sld [smem:$0x3FAF]  }
0x2f: {  	lr =	sadd.s32 s0, s3;
	s0 =	sld [smem:$0x3FA6]  }
0x30: {  	s3 =	sld [smem:$0x3FA9]  }
0x31: {  	[smem:$0x3FB2] =	sst s10  }
0x32: {  	s10 =	sld [smem:$0x3FB0];
	_ =	sdelay $0x3  }
0x33: {  	p0 =	seq.s32 s10, $0x1;
	s10 =	sld [smem:$0x3FB2];
	_ =	sdelay $0x3  }
0x34: {  	[smem:$0x3FB2] =	sst s10  }
0x35: {  	s10 =	sld [smem:$0x3FB1];
	_ =	sdelay $0x3  }
0x36: {  	p1 =	seq.s32 s10, $0x1;
	s10 =	sld [smem:$0x3FB2];
	_ =	sdelay $0x3  }
0x37: {  	[smem:$0x3FB2] =	sst s10  }
0x38: {  	s10 =	sld [smem:$0x3FB3]  }
0x39: {  	_ = 	snop;
	(pc) =	sbr.ind lr, $3  }
0x3a: {  	_ = 	snop  }
0x3b: {  	_ = 	snop  }
0x3c: {  	p2 =	seq.s32 s10, $0x1;
	s10 =	sld [smem:$0x3FB2]  }
0x3d: {  	_ =	shalt  }
0x3e: {  	_ =	shalt  }
0x3f: {  	_ =	shalt  }
0x40: {  	_ =	shalt  }
0x41: {  	_ =	shalt  }
0x42: {  	_ =	shalt  }
0x43: {  	_ =	shalt  }
0x44: {  	_ =	shalt  }
0x45: {  	_ =	shalt  }
0x46: {  	_ =	shalt  }
0x47: {  	_ =	shalt  }
0x48: {  	_ =	shalt  }
0x49: {  	_ =	shalt  }
0x4a: {  	_ =	shalt  }
0x4b: {  	_ =	shalt  }
0x4c: {  	_ =	shalt  }
0x4d: {  	_ =	shalt  }
0x4e: {  	_ =	shalt  }
0x4f: {  	_ =	shalt  }
0x50: {  	_ =	shalt  }
0x51: {  	_ =	shalt  }
0x52: {  	_ =	shalt  }
0x53: {  	_ =	shalt  }
0x54: {  	_ =	shalt  }
0x55: {  	_ =	shalt  }
0x56: {  	_ =	shalt  }
0x57: {  	_ =	shalt  }
0x58: {  	_ =	shalt  }
0x59: {  	_ =	shalt  }
0x5a: {  	_ =	shalt  }
0x5b: {  	_ =	shalt  }
0x5c: {  	_ =	shalt  }
0x5d: {  	_ =	shalt  }
0x5e: {  	_ =	shalt  }
0x5f: {  	_ =	shalt  }
0x60: {  	_ =	shalt  }
0x61: {  	_ =	shalt  }
0x62: {  	_ =	shalt  }
0x63: {  	_ =	shalt  }
0x64: {  	_ =	shalt  }
0x65: {  	_ =	shalt  }
0x66: {  	_ =	shalt  }
0x67: {  	_ =	shalt  }
0x68: {  	_ =	shalt  }
0x69: {  	_ =	shalt  }
0x6a: {  	_ =	shalt  }
0x6b: {  	_ =	shalt  }
0x6c: {  	_ =	shalt  }
0x6d: {  	_ =	shalt  }
0x6e: {  	_ =	shalt  }
0x6f: {  	_ =	shalt  }
0x70: {  	_ =	shalt  }
0x71: {  	_ =	shalt  }
0x72: {  	_ =	shalt  }
0x73: {  	_ =	shalt  }
0x74: {  	_ =	shalt  }
0x75: {  	_ =	shalt  }
0x76: {  	_ =	shalt  }
0x77: {  	_ =	shalt  }
0x78: {  	_ =	shalt  }
0x79: {  	_ =	shalt  }
0x7a: {  	_ =	shalt  }
0x7b: {  	_ =	shalt  }
0x7c: {  	_ =	shalt  }
0x7d: {  	_ =	shalt  }
0x7e: {  	_ =	shalt  }
0x7f: {  	_ =	shalt  }
0x80: {  	_ =	shalt  }
0x81: {  	_ =	shalt  }
0x82: {  	_ =	shalt  }
0x83: {  	_ =	shalt  }
0x84: {  	_ =	shalt  }
0x85: {  	_ =	shalt  }
0x86: {  	_ =	shalt  }
0x87: {  	_ =	shalt  }
.Lfunc_end0:
.L_simem_size_0:
called_computation.1_lowered:
.L_overlay_start_0:
0x88: {  	s2 =	sld [smem:$0x3FD9]  }
0x89: {  	s3 =	sld [smem:$0x3FFE];
	_ =	sdelay $0x1  }
0x8a: {  	s1 =	srdreg.scid  }
0x8b: {  	s0 =	sand.u32 $0x1, s1  }
0x8c: {  	s16 =	sshll.u32 s0, $0xA;
	s2 =	sadd.s32 s3, s2  }
0x8d: {  	s2 =	sadd.s32 s2, s16  }
0x8e: {  	[smem:$0x3FBE] =	sst s2  }
0x8f: {  	_ = 	snop  }
0x90: {  	(tm) =	ssettm $0x1  }
0x91: {  	s17 =	sld [smem:$0x3FFB];
	_ =	sdelay $0x3  }
0x92: {  	_ =	strace s17  }
0x93: {  	s2 =	sld [smem:$0x3FFC];
	_ =	sdelay $0x3  }
0x94: {  	_ =	strace s2  }
0x95: {  	s2 =	sld [smem:$0x3FFD];
	_ =	sdelay $0x3  }
0x96: {  	_ =	strace s2  }
0x97: {  	_ =	strace $0x8FFFFFFF  }
0x98: {  	s18 =	sld [smem:$0x3FDB];
	_ =	sdelay $0x1  }
0x99: {  	s19 =	simm.s32 $_scs_section_size  }
0x9a: {  	s4 =	simm.s32 $_size__tile_overlayer_lowered;
	s5 =	simm.s32 $_tile_overlayer_lowered  }
0x9b: {  	s22 =	simm.s32 $0x1BFF;
	s21 =	sshll.u32 s5, $0x1;
	s2 =	sadd.s32 s19, s18  }
0x9c: {  	s6 =	simm.s32 $0x0;
	s20 =	sshll.u32 s4, $0x1;
	s4 =	sadd.s32 s21, s2  }
0x9d: {  	[timem:s6], [sflag:s22] =	dma.local [hbm:s4], s20  }
0x9e: {  	_ =	swait.ge [sflag:s22], s20  }
0x9f: {  	s3 =	ssub.s32 $0x0, s20;
	[sflag:s22] =	ssyncset.done $0x0  }
0xa0: {  	[sflag:s22] =	ssyncadd.s32 s3;
	_ =	sdelay $0x1  }
0xa1: {  	s23 =	simm.s32 $0x1B8B  }
0xa2: {  	_ =	swait.ge [sflag:s23], $0x1  }
0xa3: {  	[sflag:s23] =	ssyncset.done $0x0  }
0xa4: {  	s25 =	simm.s32 $0x1B8E;
	s24 =	sld [smem:$0x3FFE];
	[sflag:s23] =	ssyncadd.s32 $0xFFFFFFFF  }
0xa5: {  	s26 =	simm.s32 $execute0_lowered;
	[smem:$0x3FD2] =	sst s25  }
0xa6: {  	s4 =	sshll.u32 s26, $0x1;
	_ =	strace $0x80000049;
	[dreg:$0x1] =	wrdreg $0xFFFFFFFF  }
0xa7: {  	s28 =	simm.s32 $_size_execute0_lowered;
	s2 =	sadd.s32 s2, s4;
	[dreg:$0x0] =	wrdreg $0x0  }
0xa8: {  	s4 =	sshll.u32 s28, $0x1;
	[dreg:$0x2] =	wrdreg s2  }
0xa9: {  	[dreg:$0x3] =	wrdreg s4  }
0xaa: {  	[dreg:$0x4] =	wrdreg $0xC0  }
0xab: {  	_ =	task [dreg:s6], $0x5FFFF  }
0xac: {  	[dreg:$0x1] =	wrdreg $0xFFFFFFFF  }
0xad: {  	[dreg:$0x0] =	wrdreg $0x60  }
0xae: {  	[dreg:$0x2] =	wrdreg s24  }
0xaf: {  	[dreg:$0x3] =	wrdreg $0xA8000  }
0xb0: {  	[dreg:$0x4] =	wrdreg $0x9  }
0xb1: {  	_ =	task.clear_ibuf [dreg:s6], $0x5FFFF;
	_ =	strace $0x90000049  }
0xb2: {  	s29 =	simm.s32 $0x9;
	_ =	strace $0x8000004B  }
0xb3: {  	_ =	swait.ge [sflag:s29], $0x1  }
0xb4: {  	[sflag:s29] =	ssyncadd.s32 $0xFFFFFFFF  }
0xb5: {  	_ =	strace $0x9000004B  }
0xb6: {  	_ =	sfence  }
0xb7: {  	s30 =	sld [smem:$0x0];
	_ =	sdelay $0x2  }
0xb8: {  	s31 =	sshll.u32 s1, $0xD;
	s1 =	sshrl.u32 s1, $0x2  }
0xb9: {  	s3 =	sand.u32 $0x4000, s31;
	s1 =	sadd.s32 s1, s30  }
0xba: {  	s0 =	sor.u32 s3, s0;
	s1 =	sshll.u32 s1, $0x11  }
0xbb: {  	s0 =	sor.u32 s1, s0  }
0xbc: {  	s0 =	sadd.s32 $0x8F2B, s0  }
0xbd: {  	[sflag:s0] =	ssyncadd.remote.s32 $0x1  }
0xbe: {  	_ =	sfence.sel $0xFFFF  }
0xbf: {  	[dreg:$0x0] =	wrdreg $0xFFFFFFFF;
	(pc) =	sbr.abs _section_cstart, $3  }
0xc0: {  	[dreg:$0x1] =	wrdreg $0xFFFFFFFF  }
0xc1: {  	_ =	task.clear_ibuf [dreg:s6], $0x2FFFF;
	_ =	strace $0x9FFFFFFF  }
0xc2: {  	(tm) =	ssettm $0x7FFFFFFF  }
0xc3: {  	_ =	shalt  }
tec
execute0_lowered:
.L_overlay_start_1:
0x0: {  	(tag) =	ssettag $0x1  }
0x1: {  	s0 =	rddreg [dreg:$0x0]  }
0x2: {  	s1 =	rddreg [dreg:$0x1]  }
0x3: {  	s2 =	simm.s32 $0x0;
	s3 =	srdreg.scid;
	s11 =	stileid.u32  }
0x4: {  	s25 =	simm.s32 $0x2;
	s28 =	simm.s32 $0x50;
	s29 =	simm.s32 $0x1  }
0x5: {  	s30 =	simm.s32 $0x0;
	[smem:$0x7FF] =	sst s2;
	s4 =	sadd.s32 $0x35C00, s0  }
0x6: {  	s3 =	sand.u32 $0x1, s3;
	s6 =	sshll.u32 s11, $0xB;
	s8 =	smul.u32 $0x50000, s11  }
0x7: {  	s15 =	smul.u32 $0x14000, s11;
	_ =	strace $0x8000004A;
	s5 =	sshll.u32 s3, $0xF  }
0x8: {  	s7 =	ssub.s32 $0x2, s3;
	s3 =	smul.u32 $0x140000, s3;
	s5 =	sor.u32 s6, s5  }
0x9: {  	s26 =	sshrl.u32 s7, $0x1;
	s31 =	sshrl.u32 s8, $0x2;
	s16 =	sor.u32 $0x2800, s15  }
0xa: {  	s18 =	sadd.s32 $0x5000, s15;
	s19 =	sadd.s32 $0x7800, s15;
	s20 =	sadd.s32 $0xA000, s15  }
0xb: {  	s21 =	sadd.s32 $0xC800, s15;
	s22 =	sadd.s32 $0xF000, s15;
	s23 =	sadd.s32 $0x11800, s15  }
0xc: {  	s9 =	sadd.s32 s5, s0;
	s0 =	sadd.s32 $0x5CE00, s0;
	s10 =	ssub.s32 s7, s26  }
0xd: {  	s7 =	sadd.s32 s31, s1;
	s11 =	sadd.s32 s19, s1;
	s12 =	sadd.s32 s20, s1  }
0xe: {  	s13 =	sadd.s32 s21, s1;
	s14 =	sadd.s32 s22, s1;
	s17 =	sadd.s32 s3, s15  }
0xf: {  	s15 =	sadd.s32 s23, s1;
	s19 =	sadd.s32 s3, s19;
	s20 =	sadd.s32 s3, s20  }
0x10: {  	s21 =	sadd.s32 s3, s21;
	s22 =	sadd.s32 s3, s22;
	s5 =	sadd.s32 $0x25C00, s9  }
0x11: {  	s6 =	sadd.s32 $0x15C00, s9;
	s8 =	smax.u32 s10, $0x1;
	s9 =	sadd.s32 s16, s1  }
0x12: {  	s10 =	sadd.s32 s18, s1;
	s16 =	sadd.s32 s3, s16;
	s17 =	sshrl.u32 s17, $0x3  }
0x13: {  	s18 =	sadd.s32 s3, s18;
	s19 =	sshrl.u32 s19, $0x3;
	s20 =	sshrl.u32 s20, $0x3  }
0x14: {  	s3 =	sadd.s32 s3, s23;
	s21 =	sshrl.u32 s21, $0x3;
	s22 =	sshrl.u32 s22, $0x3  }
0x15: {  	s24 =	sshrl.u32 s16, $0x3;
	s16 =	sadd.s32 s0, s17;
	s18 =	sshrl.u32 s18, $0x3  }
0x16: {  	s19 =	sadd.s32 s0, s19;
	s20 =	sadd.s32 s0, s20;
	s3 =	sshrl.u32 s3, $0x3  }
0x17: {  	s21 =	sadd.s32 s0, s21;
	s22 =	sadd.s32 s0, s22;
	s17 =	sadd.s32 s0, s24  }
0x18: {  	v0 =	vimm.f32 $0.0e+00;
	s18 =	sadd.s32 s0, s18;
	s23 =	sadd.s32 s0, s3;
	s24 =	simm.s32 $0x8000  }
.LBB2_1:
0x19: {  	s0 =	sand.u32 $0xFE00, s2  }
0x1a: {  	s3 =	sand.u32 $0x70, s2;
	s0 =	sshrl.u32 s0, $0x2  }
0x1b: {  	s31 =	simm.s32 $0x40;
	s3 =	sor.u32 s3, s0;
	s0 =	simm.s32 $0x0  }
.LBB2_2:
0x1c: {  	p0 =	sne.s32 s31, $0x9FC0  }
0x1d: {  	[tilespmem:s3+$0x8000] =	vst v0;
	s0 =	sadd.s32 $0x10, s0;
	s3 =	smov.u32 s31;
	s31 =	sadd.s32 $0x40, s31  }
.Ltmp0:
0x1e: {  	(pc) =	sbr.rel @p0 .LBB2_2-.Ltmp0, $4  }
0x1f: {  	_ = 	snop  }
0x20: {  	s3 =	sand.u32 $0xFE00, s3  }
0x21: {  	s26 =	sand.u32 $0x70, s0;
	s3 =	sshrl.u32 s3, $0x2  }
0x22: {  	s3 =	sor.u32 s26, s3  }
0x23: {  	[tilespmem:s3+$0x8000] =	vst v0  }
0x24: {  	[spmem:s7] =	stream.linear.scatter [tilespmem:s24], [sflag:$0x2], $0x2800, $0x38;
	[tilespmem:$0x1E800] =	vst v63  }
0x25: {  	_ =	swait.ge [sflag:s25], $0x2800  }
0x26: {  	[sflag:s25] =	ssyncset.done $0x0  }
0x27: {  	[sflag:s25] =	ssyncadd.s32 $0xFFFFD800  }
0x28: {  	[spmem:s9] =	stream.linear.scatter [tilespmem:s24], [sflag:$0x2], $0x2800, $0x38;
	[tilespmem:$0x1E800] =	vst v63  }
0x29: {  	_ =	swait.ge [sflag:s25], $0x2800  }
0x2a: {  	[sflag:s25] =	ssyncset.done $0x0  }
0x2b: {  	[sflag:s25] =	ssyncadd.s32 $0xFFFFD800  }
0x2c: {  	[spmem:s10] =	stream.linear.scatter [tilespmem:s24], [sflag:$0x2], $0x2800, $0x38;
	[tilespmem:$0x1E800] =	vst v63  }
0x2d: {  	_ =	swait.ge [sflag:s25], $0x2800  }
0x2e: {  	[sflag:s25] =	ssyncset.done $0x0  }
0x2f: {  	[sflag:s25] =	ssyncadd.s32 $0xFFFFD800  }
0x30: {  	[spmem:s11] =	stream.linear.scatter [tilespmem:s24], [sflag:$0x2], $0x2800, $0x38;
	[tilespmem:$0x1E800] =	vst v63  }
0x31: {  	_ =	swait.ge [sflag:s25], $0x2800  }
0x32: {  	[sflag:s25] =	ssyncset.done $0x0  }
0x33: {  	[sflag:s25] =	ssyncadd.s32 $0xFFFFD800  }
0x34: {  	[spmem:s12] =	stream.linear.scatter [tilespmem:s24], [sflag:$0x2], $0x2800, $0x38;
	[tilespmem:$0x1E800] =	vst v63  }
0x35: {  	_ =	swait.ge [sflag:s25], $0x2800  }
0x36: {  	[sflag:s25] =	ssyncset.done $0x0  }
0x37: {  	[sflag:s25] =	ssyncadd.s32 $0xFFFFD800  }
0x38: {  	[spmem:s13] =	stream.linear.scatter [tilespmem:s24], [sflag:$0x2], $0x2800, $0x38;
	[tilespmem:$0x1E800] =	vst v63  }
0x39: {  	_ =	swait.ge [sflag:s25], $0x2800  }
0x3a: {  	[sflag:s25] =	ssyncset.done $0x0  }
0x3b: {  	[sflag:s25] =	ssyncadd.s32 $0xFFFFD800  }
0x3c: {  	[spmem:s14] =	stream.linear.scatter [tilespmem:s24], [sflag:$0x2], $0x2800, $0x38;
	[tilespmem:$0x1E800] =	vst v63  }
0x3d: {  	_ =	swait.ge [sflag:s25], $0x2800  }
0x3e: {  	[sflag:s25] =	ssyncset.done $0x0  }
0x3f: {  	[sflag:s25] =	ssyncadd.s32 $0xFFFFD800  }
0x40: {  	[spmem:s15] =	stream.linear.scatter [tilespmem:s24], [sflag:$0x2], $0x2800, $0x38;
	[tilespmem:$0x1E800] =	vst v63  }
0x41: {  	_ =	swait.ge [sflag:s25], $0x2800  }
0x42: {  	[sflag:s25] =	ssyncset.done $0x0  }
0x43: {  	s0 =	simm.s32 $0x0;
	[sflag:s25] =	ssyncadd.s32 $0xFFFFD800  }
0x44: {  	[tilespmem:s0], [sflag:$0x2] =	stream.linear.gather [hbm4b:s5+s0], $0x3E80, $0x38;
	[tilespmem:$0x1E800] =	vst v63  }
0x45: {  	_ =	swait.ge [sflag:s25], $0x3E80  }
0x46: {  	[sflag:s25] =	ssyncset.done $0x0  }
0x47: {  	s26 =	simm.s32 $0x4000;
	[sflag:s25] =	ssyncadd.s32 $0xFFFFC180  }
0x48: {  	[tilespmem:s26], [sflag:$0x2] =	stream.linear.gather [hbm4b:s6+s0], $0x3E80, $0x38;
	[tilespmem:$0x1E800] =	vst v63  }
0x49: {  	_ =	swait.ge [sflag:s25], $0x3E80  }
0x4a: {  	[sflag:s25] =	ssyncset.done $0x0  }
0x4b: {  	[sflag:s25] =	ssyncadd.s32 $0xFFFFC180  }
0x4c: {  	s3 =	simm.s32 $0x0;
	[bflag:$0x0] =	sbarrier.arrive $0xFFFF  }
0x4d: {  	[tilespmem:s24], [sflag:$0x1] =	stream.indirect.gather [hbm4b:s4+s28], $0x80, s3, s28, $0xb8;
	[tilespmem:$0x1E800] =	vst v63  }
0x4e: {  	_ =	swait.ge [sflag:s29], $0x2800  }
0x4f: {  	[sflag:s29] =	ssyncset.done $0x0  }
0x50: {  	s26 =	simm.s32 $0x4000;
	[sflag:s29] =	ssyncadd.s32 $0xFFFFD800  }
0x51: {  	[spmem:s1] =	stream.indirect.scatter.add.f32 [tilespmem:s24], [sflag:$0x2], $0x80, s26, s28, $0xb8;
	[tilespmem:$0x1E800] =	vst v63  }
0x52: {  	_ =	swait.ge [sflag:s25], $0x2800  }
0x53: {  	s31 =	simm.s32 $0x200;
	s0 =	simm.s32 $0x400;
	[sflag:s25] =	ssyncset.done $0x0  }
.LBB2_4:
0x54: {  	s3 =	sshra.s32 s31, $0x2  }
0x55: {  	[sflag:s25] =	ssyncadd.s32 $0xFFFFD800;
	s31 =	smov.u32 s0;
	s26 =	sadd.s32 $0x200, s0  }
0x56: {  	[tilespmem:s24], [sflag:$0x1] =	stream.indirect.gather [hbm4b:s4+s28], $0x80, s3, s28, $0xb8;
	[tilespmem:$0x1E800] =	vst v63  }
0x57: {  	p0 =	sne.s32 s0, $0xF800;
	_ =	swait.ge [sflag:s29], $0x2800  }
.Ltmp1:
0x58: {  	[sflag:s29] =	ssyncset.done $0x0;
	(pc) =	sbr.rel @p0 .LBB2_4-.Ltmp1, $4  }
0x59: {  	s0 =	sadd.s32 $0x4000, s3;
	[sflag:s29] =	ssyncadd.s32 $0xFFFFD800  }
0x5a: {  	[spmem:s1] =	stream.indirect.scatter.add.f32 [tilespmem:s24], [sflag:$0x2], $0x80, s0, s28, $0xb8;
	[tilespmem:$0x1E800] =	vst v63  }
0x5b: {  	_ =	swait.ge [sflag:s25], $0x2800  }
0x5c: {  	s0 =	smov.u32 s26;
	[sflag:s25] =	ssyncset.done $0x0  }
0x5d: {  	s0 =	sshra.s32 s31, $0x2;
	[sflag:s25] =	ssyncadd.s32 $0xFFFFD800  }
0x5e: {  	[tilespmem:s24], [sflag:$0x1] =	stream.indirect.gather [hbm4b:s4+s28], $0x80, s0, s28, $0xb8;
	[tilespmem:$0x1E800] =	vst v63  }
0x5f: {  	_ =	swait.ge [sflag:s29], $0x2800  }
0x60: {  	[sflag:s29] =	ssyncset.done $0x0  }
0x61: {  	s0 =	sadd.s32 $0x4000, s0;
	[sflag:s29] =	ssyncadd.s32 $0xFFFFD800  }
0x62: {  	[spmem:s1] =	stream.indirect.scatter.add.f32 [tilespmem:s24], [sflag:$0x2], $0x80, s0, s28, $0xb8;
	[tilespmem:$0x1E800] =	vst v63  }
0x63: {  	_ =	swait.ge [sflag:s25], $0x2800  }
0x64: {  	[sflag:s25] =	ssyncset.done $0x0  }
0x65: {  	[sflag:s25] =	ssyncadd.s32 $0xFFFFD800  }
0x66: {  	[bflag:$0x0] =	sbarrier.arrive $0xFFFF  }
0x67: {  	[tilespmem:s24], [sflag:$0x2] =	stream.linear.gather [spmem:s7], $0x2800, $0x38;
	[tilespmem:$0x1E800] =	vst v63  }
0x68: {  	_ =	swait.ge [sflag:s25], $0x2800  }
0x69: {  	[sflag:s25] =	ssyncset.done $0x0  }
0x6a: {  	[sflag:s25] =	ssyncadd.s32 $0xFFFFD800  }
0x6b: {  	[hbm4b:s16+s2] =	stream.linear.scatter [tilespmem:s24], [sflag:$0x2], $0x2800, $0x38;
	[tilespmem:$0x1E800] =	vst v63  }
0x6c: {  	_ =	swait.ge [sflag:s25], $0x2800  }
0x6d: {  	[sflag:s25] =	ssyncset.done $0x0  }
0x6e: {  	[sflag:s25] =	ssyncadd.s32 $0xFFFFD800  }
0x6f: {  	[tilespmem:s24], [sflag:$0x2] =	stream.linear.gather [spmem:s9], $0x2800, $0x38;
	[tilespmem:$0x1E800] =	vst v63  }
0x70: {  	_ =	swait.ge [sflag:s25], $0x2800  }
0x71: {  	[sflag:s25] =	ssyncset.done $0x0  }
0x72: {  	[sflag:s25] =	ssyncadd.s32 $0xFFFFD800  }
0x73: {  	[hbm4b:s17+s2] =	stream.linear.scatter [tilespmem:s24], [sflag:$0x2], $0x2800, $0x38;
	[tilespmem:$0x1E800] =	vst v63  }
0x74: {  	_ =	swait.ge [sflag:s25], $0x2800  }
0x75: {  	[sflag:s25] =	ssyncset.done $0x0  }
0x76: {  	[sflag:s25] =	ssyncadd.s32 $0xFFFFD800  }
0x77: {  	[tilespmem:s24], [sflag:$0x2] =	stream.linear.gather [spmem:s10], $0x2800, $0x38;
	[tilespmem:$0x1E800] =	vst v63  }
0x78: {  	_ =	swait.ge [sflag:s25], $0x2800  }
0x79: {  	[sflag:s25] =	ssyncset.done $0x0  }
0x7a: {  	[sflag:s25] =	ssyncadd.s32 $0xFFFFD800  }
0x7b: {  	[hbm4b:s18+s2] =	stream.linear.scatter [tilespmem:s24], [sflag:$0x2], $0x2800, $0x38;
	[tilespmem:$0x1E800] =	vst v63  }
0x7c: {  	_ =	swait.ge [sflag:s25], $0x2800  }
0x7d: {  	[sflag:s25] =	ssyncset.done $0x0  }
0x7e: {  	[sflag:s25] =	ssyncadd.s32 $0xFFFFD800  }
0x7f: {  	[tilespmem:s24], [sflag:$0x2] =	stream.linear.gather [spmem:s11], $0x2800, $0x38;
	[tilespmem:$0x1E800] =	vst v63  }
0x80: {  	_ =	swait.ge [sflag:s25], $0x2800  }
0x81: {  	[sflag:s25] =	ssyncset.done $0x0  }
0x82: {  	[sflag:s25] =	ssyncadd.s32 $0xFFFFD800  }
0x83: {  	[hbm4b:s19+s2] =	stream.linear.scatter [tilespmem:s24], [sflag:$0x2], $0x2800, $0x38;
	[tilespmem:$0x1E800] =	vst v63  }
0x84: {  	_ =	swait.ge [sflag:s25], $0x2800  }
0x85: {  	[sflag:s25] =	ssyncset.done $0x0  }
0x86: {  	[sflag:s25] =	ssyncadd.s32 $0xFFFFD800  }
0x87: {  	[tilespmem:s24], [sflag:$0x2] =	stream.linear.gather [spmem:s12], $0x2800, $0x38;
	[tilespmem:$0x1E800] =	vst v63  }
0x88: {  	_ =	swait.ge [sflag:s25], $0x2800  }
0x89: {  	[sflag:s25] =	ssyncset.done $0x0  }
0x8a: {  	[sflag:s25] =	ssyncadd.s32 $0xFFFFD800  }
0x8b: {  	[hbm4b:s20+s2] =	stream.linear.scatter [tilespmem:s24], [sflag:$0x2], $0x2800, $0x38;
	[tilespmem:$0x1E800] =	vst v63  }
0x8c: {  	_ =	swait.ge [sflag:s25], $0x2800  }
0x8d: {  	[sflag:s25] =	ssyncset.done $0x0  }
0x8e: {  	[sflag:s25] =	ssyncadd.s32 $0xFFFFD800  }
0x8f: {  	[tilespmem:s24], [sflag:$0x2] =	stream.linear.gather [spmem:s13], $0x2800, $0x38;
	[tilespmem:$0x1E800] =	vst v63  }
0x90: {  	_ =	swait.ge [sflag:s25], $0x2800  }
0x91: {  	[sflag:s25] =	ssyncset.done $0x0  }
0x92: {  	[sflag:s25] =	ssyncadd.s32 $0xFFFFD800  }
0x93: {  	[hbm4b:s21+s2] =	stream.linear.scatter [tilespmem:s24], [sflag:$0x2], $0x2800, $0x38;
	[tilespmem:$0x1E800] =	vst v63  }
0x94: {  	_ =	swait.ge [sflag:s25], $0x2800  }
0x95: {  	[sflag:s25] =	ssyncset.done $0x0  }
0x96: {  	[sflag:s25] =	ssyncadd.s32 $0xFFFFD800  }
0x97: {  	[tilespmem:s24], [sflag:$0x2] =	stream.linear.gather [spmem:s14], $0x2800, $0x38;
	[tilespmem:$0x1E800] =	vst v63  }
0x98: {  	_ =	swait.ge [sflag:s25], $0x2800  }
0x99: {  	[sflag:s25] =	ssyncset.done $0x0  }
0x9a: {  	[sflag:s25] =	ssyncadd.s32 $0xFFFFD800  }
0x9b: {  	[hbm4b:s22+s2] =	stream.linear.scatter [tilespmem:s24], [sflag:$0x2], $0x2800, $0x38;
	[tilespmem:$0x1E800] =	vst v63  }
0x9c: {  	_ =	swait.ge [sflag:s25], $0x2800  }
0x9d: {  	[sflag:s25] =	ssyncset.done $0x0  }
0x9e: {  	[sflag:s25] =	ssyncadd.s32 $0xFFFFD800  }
0x9f: {  	[tilespmem:s24], [sflag:$0x2] =	stream.linear.gather [spmem:s15], $0x2800, $0x38;
	[tilespmem:$0x1E800] =	vst v63  }
0xa0: {  	s30 =	sadd.s32 $0x1, s30;
	_ =	swait.ge [sflag:s25], $0x2800  }
0xa1: {  	p0 =	sne.s32 s30, s8;
	[sflag:s25] =	ssyncset.done $0x0  }
.Ltmp2:
0xa2: {  	[sflag:s25] =	ssyncadd.s32 $0xFFFFD800;
	(pc) =	sbr.rel @p0 .LBB2_1-.Ltmp2, $4  }
0xa3: {  	[hbm4b:s23+s2] =	stream.linear.scatter [tilespmem:s24], [sflag:$0x2], $0x2800, $0x38;
	[tilespmem:$0x1E800] =	vst v63  }
0xa4: {  	_ =	swait.ge [sflag:s25], $0x2800  }
0xa5: {  	[sflag:s25] =	ssyncset.done $0x0  }
0xa6: {  	[sflag:s25] =	ssyncadd.s32 $0xFFFFD800  }
0xa7: {  	_ =	sfence.sel $0x180000  }
0xa8: {  	[bflag:$0x0] =	sbarrier.arrive $0xFFFF  }
0xa9: {  	_ =	strace $0x9000004A  }
0xaa: {  	s0 =	stileid.u32;
	[bflag:$0x2] =	sbarrier.arrive $0xFFFF  }
0xab: {  	p0 =	sne.s32 s0, $0x0;
	s0 =	rddreg [dreg:$0x2]  }
0xac: {  	s0 =	sadd.s32 @!p0 $0x100000, s0  }
0xad: {  	[sflag:s0] =	ssyncadd.tile.s32 @!p0 $0x1;
	_ =	shalt  }
.Lfunc_end2:
_tile_overlayer_lowered:
.L_overlay_start_2:
0xae: {  	(tag) =	ssettag $0x2  }
0xaf: {  	s0 =	rddreg [dreg:$0x0];
	s2 =	stileid.u32  }
0xb0: {  	s1 =	rddreg [dreg:$0x1];
	p0 =	sne.s32 s2, $0x0  }
0xb1: {  	s3 =	rddreg [dreg:$0x2];
	[bflag:$0x3] =	sbarrier.arrive $0xFFFF;
	s2 =	simm.s32 @!p0 $0x1C02  }
0xb2: {  	[timem:s3], [sflag:s2] =	dma.local @!p0 [hbm:s0], s1  }
0xb3: {  	s0 =	simm.s32 @!p0 $0x2  }
0xb4: {  	_ =	swait.ge @!p0 [sflag:s0], s1  }
0xb5: {  	s1 =	ssub.s32 @!p0 $0x0, s1;
	[sflag:s0] =	ssyncset.done @!p0 $0x0  }
0xb6: {  	[sflag:s0] =	ssyncadd.s32 @!p0 s1  }
0xb7: {  	[bflag:$0x3] =	sbarrier.arrive $0xFFFF  }
0xb8: {  	_ =	shalt  }

</sc_bundles>
